<compile_context>
chip_gen: v7x
topology: tpu7x:2x2x1
jax: 0.10.2.dev20260603
libtpu: 0.0.44.dev20260713+nightly
codegen_flags: <defaults>
</compile_context>

<pallas_src>
import functools

import jax
import jax.numpy as jnp
from jax import lax
from jax.experimental import pallas as pl
from jax.experimental.pallas import tpu as pltpu
from jax.experimental.pallas import tpu_sc as plsc

BATCH = 16384
NGROUP = 1000000
TILE = 128
NTILE_FULL = NGROUP // TILE
MAIN = NTILE_FULL * TILE
NTAIL = NGROUP - MAIN
NC = 2
NS = 16
NW = NC * NS
C = BATCH // NW
E = 2 * C
NCHUNK = E // TILE


def _body(x1_hbm, y1_hbm, group_hbm, ic_hbm, ex_hbm, ey_hbm, tab_hbm,
          tail_hbm, out_hbm, g_v, eidx_v, rows_v, x_v, y_v, tail_v,
          ic_v, ex_v, ey_v, sem):
    wid = lax.axis_index("s") * NC + lax.axis_index("c")
    base = wid * C

    pltpu.sync_copy(group_hbm.at[pl.ds(base, C)], g_v)

    for j in range(NCHUNK):
        tt, c = j >> 1, j & 1

        def prep(t, carry, tt=tt, c=c, j=j):
            g16 = g_v[pl.ds(tt * TILE + t * 16, 16)]
            gc = jnp.minimum(g16, MAIN - 1)
            e = ((gc >> 7) << 8) + (c << 7) + (gc & 127)
            eidx_v[j, pl.ds(t * 16, 16)] = e
            return carry

        lax.fori_loop(0, 8, prep, 0)

    copies = []
    for j in range(NCHUNK):
        copies.append(pltpu.async_copy(
            tab_hbm.at[eidx_v.at[j]],
            rows_v.at[pl.ds(j * TILE, TILE)], sem))

    pltpu.sync_copy(x1_hbm.at[pl.ds(base, C)], x_v)
    pltpu.sync_copy(y1_hbm.at[pl.ds(base, C)], y_v)
    pltpu.sync_copy(tail_hbm, tail_v)
    pltpu.sync_copy(ic_hbm, ic_v.at[pl.ds(0, 2)])
    pltpu.sync_copy(ex_hbm, ex_v.at[pl.ds(0, 2)])
    pltpu.sync_copy(ey_hbm, ey_v.at[pl.ds(0, 2)])

    for cp in copies:
        cp.wait()

    zeros16 = jnp.zeros((16,), jnp.float32)
    icl, exl, eyl = ic_v[...], ex_v[...], ey_v[...]
    coef = []
    for c in range(2):
        coef.append((zeros16 + icl[c], zeros16 + exl[c],
                     zeros16 + eyl[c]))

    for j in range(NCHUNK):
        tt, c = j >> 1, j & 1
        icc, exc, eyc = coef[c]

        def fma(t, carry, tt=tt, c=c, j=j, icc=icc, exc=exc, eyc=eyc):
            r = tt * TILE + t * 16
            g16 = g_v[pl.ds(r, 16)]
            x16 = x_v[pl.ds(r, 16)]
            y16 = y_v[pl.ds(r, 16)]
            rv = rows_v[pl.ds(j * TILE + t * 16, 16)]
            tidx = jnp.maximum(g16 - MAIN, 0) * 2 + c
            tv = plsc.load_gather(tail_v, [tidx])
            val = jnp.where(g16 >= MAIN, tv, rv)
            rows_v[pl.ds(j * TILE + t * 16, 16)] = (
                val + icc + exc * x16 + eyc * y16)
            return carry

        lax.fori_loop(0, 8, fma, 0)

    pltpu.sync_copy(rows_v, out_hbm.at[pl.ds(wid * E, E)])


@jax.jit
def _mlmm(x1, y1, group, intercept, effect_x1, effect_y1, group_effects):
    tab = (group_effects[:MAIN]
           .reshape(NTILE_FULL, TILE, 2)
           .transpose(0, 2, 1)
           .reshape(-1))
    tail = group_effects[MAIN:].reshape(-1)
    kern = functools.partial(
        pl.kernel,
        out_type=jax.ShapeDtypeStruct((BATCH * 2,), jnp.float32),
        mesh=plsc.VectorSubcoreMesh(core_axis_name="c", subcore_axis_name="s"),
        compiler_params=pltpu.CompilerParams(needs_layout_passes=False,
                                             use_tc_tiling_on_sc=False),
        scratch_types=[
            pltpu.VMEM((C,), jnp.int32),
            pltpu.VMEM((NCHUNK, TILE), jnp.int32),
            pltpu.VMEM((E,), jnp.float32),
            pltpu.VMEM((C,), jnp.float32),
            pltpu.VMEM((C,), jnp.float32),
            pltpu.VMEM((2 * NTAIL,), jnp.float32),
            pltpu.VMEM((16,), jnp.float32),
            pltpu.VMEM((16,), jnp.float32),
            pltpu.VMEM((16,), jnp.float32),
            pltpu.SemaphoreType.DMA,
        ],
    )(_body)
    flat = kern(x1, y1, group, intercept, effect_x1, effect_y1, tab, tail)
    return (flat.reshape(BATCH // TILE, 2, TILE)
            .transpose(0, 2, 1)
            .reshape(BATCH, 2))


def kernel(x1, y1, group, intercept, effect_x1, effect_y1, group_effects):
    return _mlmm(x1, y1, group.astype(jnp.int32), intercept, effect_x1,
                 effect_y1, group_effects)

# --- scband reference (transcript-rebuilt; emitter-appended) ---
"""Pipeline reference for scband-multivariate-linear-mixed-effect-model-2662879723545 (READ-ONLY COPY).

The authoritative reference and input builder live on the scoring server;
editing this copy changes nothing except your own understanding.
"""

import jax, jax.numpy as jnp
import numpy as np

NUM_GROUPS = 1000000
BATCH = 16384

def setup_inputs(seed: int = 0) -> dict:
    key = jax.random.key(seed)
    k1, k2, k3, k4 = jax.random.split(key, 4)
    x1 = jax.random.normal(k1, (BATCH,), dtype=jnp.float32)
    y1 = jax.random.normal(k2, (BATCH,), dtype=jnp.float32)
    group = jax.random.randint(k3, (BATCH,), 0, NUM_GROUPS, dtype=jnp.int64) if jax.config.jax_enable_x64 else jax.random.randint(k3, (BATCH,), 0, NUM_GROUPS, dtype=jnp.int32)
    intercept = jnp.zeros((2,), dtype=jnp.float32)
    effect_x1 = jnp.zeros((2,), dtype=jnp.float32)
    effect_y1 = jnp.zeros((2,), dtype=jnp.float32)
    group_effects = jax.random.normal(k4, (NUM_GROUPS, 2), dtype=jnp.float32) * 0.1
    return {"x1": x1, "y1": y1, "group": group, "intercept": intercept, "effect_x1": effect_x1, "effect_y1": effect_y1, "group_effects": group_effects}

def reference(x1, y1, group, intercept, effect_x1, effect_y1, group_effects):
    fixed_effects = intercept + effect_x1 * x1[:, None] + effect_y1 * y1[:, None]
    random_effects = jnp.take(group_effects, group, axis=0)
    total_effects = fixed_effects + random_effects
    return total_effects

if __name__ == "__main__":
    import jax
    _d = setup_inputs()
    print(jax.jit(kernel)(*tuple(_d.values())))

</pallas_src>

<mosaic_0001>
#map = affine_map<(d0, d1) -> (0)>
module attributes {stable_mosaic.version = 14 : i64} {
  func.func @_body(%arg0: i32, %arg1: i32, %arg2: memref<16384xf32, #tpu.memory_space<hbm>>, %arg3: memref<16384xf32, #tpu.memory_space<hbm>>, %arg4: memref<16384xi32, #tpu.memory_space<hbm>>, %arg5: memref<2xf32, #tpu.memory_space<hbm>>, %arg6: memref<2xf32, #tpu.memory_space<hbm>>, %arg7: memref<2xf32, #tpu.memory_space<hbm>>, %arg8: memref<1999872xf32, #tpu.memory_space<hbm>>, %arg9: memref<128xf32, #tpu.memory_space<hbm>>, %arg10: memref<32768xf32, #tpu.memory_space<hbm>>, %arg11: memref<512xi32, #tpu.memory_space<vmem>>, %arg12: memref<8x128xi32, #tpu.memory_space<vmem>>, %arg13: memref<1024xf32, #tpu.memory_space<vmem>>, %arg14: memref<512xf32, #tpu.memory_space<vmem>>, %arg15: memref<512xf32, #tpu.memory_space<vmem>>, %arg16: memref<128xf32, #tpu.memory_space<vmem>>, %arg17: memref<16xf32, #tpu.memory_space<vmem>>, %arg18: memref<16xf32, #tpu.memory_space<vmem>>, %arg19: memref<16xf32, #tpu.memory_space<vmem>>, %arg20: memref<!tpu.dma_semaphore, #tpu.memory_space<semaphore_mem>>) attributes {dimension_semantics = [#tpu.dimension_semantics<core_parallel>, #tpu.dimension_semantics<subcore_parallel>], iteration_bounds = array<i64: 2, 16>, scalar_prefetch = 0 : i64, scratch_operands = 10 : i64, tpu.core_type = #tpu.core_type<sc_vector_subcore>, window_params = [{transform_indices = #map}, {transform_indices = #map}, {transform_indices = #map}, {transform_indices = #map}, {transform_indices = #map}, {transform_indices = #map}, {transform_indices = #map}, {transform_indices = #map}, {transform_indices = #map}]} {
    %mul3A = arith.constant 2 : i32
    %mul3A_0 = arith.muli %arg1, %mul3A : i32
    %add3A = arith.addi %mul3A_0, %arg0 : i32
    %mul3A_1 = arith.constant 512 : i32
    %mul3A_2 = arith.muli %add3A, %mul3A_1 : i32
    "tpu.region"() ({
      %run_scoped3A = tpu.sem_alloc : memref<!tpu.dma_semaphore, #tpu.memory_space<semaphore_mem>>
      %dma_start3A_254 = tpu.memref_slice %arg4[%mul3A_2] : memref<16384xi32, #tpu.memory_space<hbm>> -> memref<512xi32, #tpu.memory_space<hbm>>
      %dma_start3A_255 = tpu.memref_slice %arg4[%mul3A_2] : memref<16384xi32, #tpu.memory_space<hbm>> -> memref<512xi32, #tpu.memory_space<hbm>>
      tpu.enqueue_dma source(%dma_start3A_255 : memref<512xi32, #tpu.memory_space<hbm>>) target(%arg11 : memref<512xi32, #tpu.memory_space<vmem>>) target_semaphore(%run_scoped3A : memref<!tpu.dma_semaphore, #tpu.memory_space<semaphore_mem>>)
      %dma_wait3A_256 = tpu.memref_slice %arg4[%mul3A_2] : memref<16384xi32, #tpu.memory_space<hbm>> -> memref<512xi32, #tpu.memory_space<hbm>>
      %dma_wait3A_257 = tpu.memref_slice %arg4[%mul3A_2] : memref<16384xi32, #tpu.memory_space<hbm>> -> memref<512xi32, #tpu.memory_space<hbm>>
      tpu.wait_dma2 semaphore(%run_scoped3A : memref<!tpu.dma_semaphore, #tpu.memory_space<semaphore_mem>>) src(%dma_wait3A_257 : memref<512xi32, #tpu.memory_space<hbm>>) dst(%arg11 : memref<512xi32, #tpu.memory_space<vmem>>)
      tpu.yield
    }) : () -> ()
    %scan3A = arith.constant 0 : i32
    %scan3A_3 = arith.constant 0 : i32
    %scan3A_4 = arith.constant 8 : i32
    %scan3A_5 = arith.addi %scan3A_3, %scan3A_4 : i32
    %scan3A_6 = arith.constant 1 : i32
    scf.for %scan3A_254 = %scan3A_3 to %scan3A_5 step %scan3A_6  : i32 {
      %mul3A_255 = arith.constant 16 : i32
      %mul3A_256 = arith.muli %scan3A_254, %mul3A_255 : i32
      %add3A_257 = arith.constant 0 : i32
      %add3A_258 = arith.addi %add3A_257, %mul3A_256 : i32
      %get3A_259 = arith.index_cast %add3A_258 : i32 to index
      %get3A_260 = tpu.vector_load %arg11[%get3A_259] {strides = array<i32>} : memref<512xi32, #tpu.memory_space<vmem>>, vector<16xi32>,
      %min3A = arith.constant 999935 : i32
      %min3A_261 = vector.broadcast %min3A : i32 to vector<16xi32>
      %min3A_262 = arith.minsi %get3A_260, %min3A_261 : vector<16xi32>
      %shift_right_arithmetic3A = arith.constant 7 : i32
      %shift_right_arithmetic3A_263 = vector.broadcast %shift_right_arithmetic3A : i32 to vector<16xi32>
      %shift_right_arithmetic3A_264 = arith.shrsi %min3A_262, %shift_right_arithmetic3A_263 : vector<16xi32>
      %shift_left3A = arith.constant 8 : i32
      %shift_left3A_265 = vector.broadcast %shift_left3A : i32 to vector<16xi32>
      %shift_left3A_266 = arith.shli %shift_right_arithmetic3A_264, %shift_left3A_265 : vector<16xi32>
      %add3A_267 = arith.constant 0 : i32
      %add3A_268 = vector.broadcast %add3A_267 : i32 to vector<16xi32>
      %add3A_269 = arith.addi %shift_left3A_266, %add3A_268 : vector<16xi32>
      %and3A = arith.constant 127 : i32
      %and3A_270 = vector.broadcast %and3A : i32 to vector<16xi32>
      %and3A_271 = arith.andi %min3A_262, %and3A_270 : vector<16xi32>
      %add3A_272 = arith.addi %add3A_269, %and3A_271 : vector<16xi32>
      %mul3A_273 = arith.constant 16 : i32
      %mul3A_274 = arith.muli %scan3A_254, %mul3A_273 : i32
      %swap3A = arith.constant 0 : i32
      %swap3A_275 = arith.index_cast %swap3A : i32 to index
      %swap3A_276 = arith.index_cast %mul3A_274 : i32 to index
      %swap3A_277 = tpu.vector_load %arg12[%swap3A_275, %swap3A_276] {strides = array<i32>} : memref<8x128xi32, #tpu.memory_space<vmem>>, vector<16xi32>,
      tpu.vector_store %arg12[%swap3A_275, %swap3A_276], %add3A_272 {strides = array<i32>} : memref<8x128xi32, #tpu.memory_space<vmem>>, vector<16xi32>,
    }
    %scan3A_7 = arith.constant 8 : i32
    %scan3A_8 = arith.constant 0 : i32
    %scan3A_9 = arith.constant 0 : i32
    %scan3A_10 = arith.constant 8 : i32
    %scan3A_11 = arith.addi %scan3A_9, %scan3A_10 : i32
    %scan3A_12 = arith.constant 1 : i32
    scf.for %scan3A_254 = %scan3A_9 to %scan3A_11 step %scan3A_12  : i32 {
      %mul3A_255 = arith.constant 16 : i32
      %mul3A_256 = arith.muli %scan3A_254, %mul3A_255 : i32
      %add3A_257 = arith.constant 0 : i32
      %add3A_258 = arith.addi %add3A_257, %mul3A_256 : i32
      %get3A_259 = arith.index_cast %add3A_258 : i32 to index
      %get3A_260 = tpu.vector_load %arg11[%get3A_259] {strides = array<i32>} : memref<512xi32, #tpu.memory_space<vmem>>, vector<16xi32>,
      %min3A = arith.constant 999935 : i32
      %min3A_261 = vector.broadcast %min3A : i32 to vector<16xi32>
      %min3A_262 = arith.minsi %get3A_260, %min3A_261 : vector<16xi32>
      %shift_right_arithmetic3A = arith.constant 7 : i32
      %shift_right_arithmetic3A_263 = vector.broadcast %shift_right_arithmetic3A : i32 to vector<16xi32>
      %shift_right_arithmetic3A_264 = arith.shrsi %min3A_262, %shift_right_arithmetic3A_263 : vector<16xi32>
      %shift_left3A = arith.constant 8 : i32
      %shift_left3A_265 = vector.broadcast %shift_left3A : i32 to vector<16xi32>
      %shift_left3A_266 = arith.shli %shift_right_arithmetic3A_264, %shift_left3A_265 : vector<16xi32>
      %add3A_267 = arith.constant 128 : i32
      %add3A_268 = vector.broadcast %add3A_267 : i32 to vector<16xi32>
      %add3A_269 = arith.addi %shift_left3A_266, %add3A_268 : vector<16xi32>
      %and3A = arith.constant 127 : i32
      %and3A_270 = vector.broadcast %and3A : i32 to vector<16xi32>
      %and3A_271 = arith.andi %min3A_262, %and3A_270 : vector<16xi32>
      %add3A_272 = arith.addi %add3A_269, %and3A_271 : vector<16xi32>
      %mul3A_273 = arith.constant 16 : i32
      %mul3A_274 = arith.muli %scan3A_254, %mul3A_273 : i32
      %swap3A = arith.constant 1 : i32
      %swap3A_275 = arith.index_cast %swap3A : i32 to index
      %swap3A_276 = arith.index_cast %mul3A_274 : i32 to index
      %swap3A_277 = tpu.vector_load %arg12[%swap3A_275, %swap3A_276] {strides = array<i32>} : memref<8x128xi32, #tpu.memory_space<vmem>>, vector<16xi32>,
      tpu.vector_store %arg12[%swap3A_275, %swap3A_276], %add3A_272 {strides = array<i32>} : memref<8x128xi32, #tpu.memory_space<vmem>>, vector<16xi32>,
    }
    %scan3A_13 = arith.constant 8 : i32
    %scan3A_14 = arith.constant 0 : i32
    %scan3A_15 = arith.constant 0 : i32
    %scan3A_16 = arith.constant 8 : i32
    %scan3A_17 = arith.addi %scan3A_15, %scan3A_16 : i32
    %scan3A_18 = arith.constant 1 : i32
    scf.for %scan3A_254 = %scan3A_15 to %scan3A_17 step %scan3A_18  : i32 {
      %mul3A_255 = arith.constant 16 : i32
      %mul3A_256 = arith.muli %scan3A_254, %mul3A_255 : i32
      %add3A_257 = arith.constant 128 : i32
      %add3A_258 = arith.addi %add3A_257, %mul3A_256 : i32
      %get3A_259 = arith.index_cast %add3A_258 : i32 to index
      %get3A_260 = tpu.vector_load %arg11[%get3A_259] {strides = array<i32>} : memref<512xi32, #tpu.memory_space<vmem>>, vector<16xi32>,
      %min3A = arith.constant 999935 : i32
      %min3A_261 = vector.broadcast %min3A : i32 to vector<16xi32>
      %min3A_262 = arith.minsi %get3A_260, %min3A_261 : vector<16xi32>
      %shift_right_arithmetic3A = arith.constant 7 : i32
      %shift_right_arithmetic3A_263 = vector.broadcast %shift_right_arithmetic3A : i32 to vector<16xi32>
      %shift_right_arithmetic3A_264 = arith.shrsi %min3A_262, %shift_right_arithmetic3A_263 : vector<16xi32>
      %shift_left3A = arith.constant 8 : i32
      %shift_left3A_265 = vector.broadcast %shift_left3A : i32 to vector<16xi32>
      %shift_left3A_266 = arith.shli %shift_right_arithmetic3A_264, %shift_left3A_265 : vector<16xi32>
      %add3A_267 = arith.constant 0 : i32
      %add3A_268 = vector.broadcast %add3A_267 : i32 to vector<16xi32>
      %add3A_269 = arith.addi %shift_left3A_266, %add3A_268 : vector<16xi32>
      %and3A = arith.constant 127 : i32
      %and3A_270 = vector.broadcast %and3A : i32 to vector<16xi32>
      %and3A_271 = arith.andi %min3A_262, %and3A_270 : vector<16xi32>
      %add3A_272 = arith.addi %add3A_269, %and3A_271 : vector<16xi32>
      %mul3A_273 = arith.constant 16 : i32
      %mul3A_274 = arith.muli %scan3A_254, %mul3A_273 : i32
      %swap3A = arith.constant 2 : i32
      %swap3A_275 = arith.index_cast %swap3A : i32 to index
      %swap3A_276 = arith.index_cast %mul3A_274 : i32 to index
      %swap3A_277 = tpu.vector_load %arg12[%swap3A_275, %swap3A_276] {strides = array<i32>} : memref<8x128xi32, #tpu.memory_space<vmem>>, vector<16xi32>,
      tpu.vector_store %arg12[%swap3A_275, %swap3A_276], %add3A_272 {strides = array<i32>} : memref<8x128xi32, #tpu.memory_space<vmem>>, vector<16xi32>,
    }
    %scan3A_19 = arith.constant 8 : i32
    %scan3A_20 = arith.constant 0 : i32
    %scan3A_21 = arith.constant 0 : i32
    %scan3A_22 = arith.constant 8 : i32
    %scan3A_23 = arith.addi %scan3A_21, %scan3A_22 : i32
    %scan3A_24 = arith.constant 1 : i32
    scf.for %scan3A_254 = %scan3A_21 to %scan3A_23 step %scan3A_24  : i32 {
      %mul3A_255 = arith.constant 16 : i32
      %mul3A_256 = arith.muli %scan3A_254, %mul3A_255 : i32
      %add3A_257 = arith.constant 128 : i32
      %add3A_258 = arith.addi %add3A_257, %mul3A_256 : i32
      %get3A_259 = arith.index_cast %add3A_258 : i32 to index
      %get3A_260 = tpu.vector_load %arg11[%get3A_259] {strides = array<i32>} : memref<512xi32, #tpu.memory_space<vmem>>, vector<16xi32>,
      %min3A = arith.constant 999935 : i32
      %min3A_261 = vector.broadcast %min3A : i32 to vector<16xi32>
      %min3A_262 = arith.minsi %get3A_260, %min3A_261 : vector<16xi32>
      %shift_right_arithmetic3A = arith.constant 7 : i32
      %shift_right_arithmetic3A_263 = vector.broadcast %shift_right_arithmetic3A : i32 to vector<16xi32>
      %shift_right_arithmetic3A_264 = arith.shrsi %min3A_262, %shift_right_arithmetic3A_263 : vector<16xi32>
      %shift_left3A = arith.constant 8 : i32
      %shift_left3A_265 = vector.broadcast %shift_left3A : i32 to vector<16xi32>
      %shift_left3A_266 = arith.shli %shift_right_arithmetic3A_264, %shift_left3A_265 : vector<16xi32>
      %add3A_267 = arith.constant 128 : i32
      %add3A_268 = vector.broadcast %add3A_267 : i32 to vector<16xi32>
      %add3A_269 = arith.addi %shift_left3A_266, %add3A_268 : vector<16xi32>
      %and3A = arith.constant 127 : i32
      %and3A_270 = vector.broadcast %and3A : i32 to vector<16xi32>
      %and3A_271 = arith.andi %min3A_262, %and3A_270 : vector<16xi32>
      %add3A_272 = arith.addi %add3A_269, %and3A_271 : vector<16xi32>
      %mul3A_273 = arith.constant 16 : i32
      %mul3A_274 = arith.muli %scan3A_254, %mul3A_273 : i32
      %swap3A = arith.constant 3 : i32
      %swap3A_275 = arith.index_cast %swap3A : i32 to index
      %swap3A_276 = arith.index_cast %mul3A_274 : i32 to index
      %swap3A_277 = tpu.vector_load %arg12[%swap3A_275, %swap3A_276] {strides = array<i32>} : memref<8x128xi32, #tpu.memory_space<vmem>>, vector<16xi32>,
      tpu.vector_store %arg12[%swap3A_275, %swap3A_276], %add3A_272 {strides = array<i32>} : memref<8x128xi32, #tpu.memory_space<vmem>>, vector<16xi32>,
    }
    %scan3A_25 = arith.constant 8 : i32
    %scan3A_26 = arith.constant 0 : i32
    %scan3A_27 = arith.constant 0 : i32
    %scan3A_28 = arith.constant 8 : i32
    %scan3A_29 = arith.addi %scan3A_27, %scan3A_28 : i32
    %scan3A_30 = arith.constant 1 : i32
    scf.for %scan3A_254 = %scan3A_27 to %scan3A_29 step %scan3A_30  : i32 {
      %mul3A_255 = arith.constant 16 : i32
      %mul3A_256 = arith.muli %scan3A_254, %mul3A_255 : i32
      %add3A_257 = arith.constant 256 : i32
      %add3A_258 = arith.addi %add3A_257, %mul3A_256 : i32
      %get3A_259 = arith.index_cast %add3A_258 : i32 to index
      %get3A_260 = tpu.vector_load %arg11[%get3A_259] {strides = array<i32>} : memref<512xi32, #tpu.memory_space<vmem>>, vector<16xi32>,
      %min3A = arith.constant 999935 : i32
      %min3A_261 = vector.broadcast %min3A : i32 to vector<16xi32>
      %min3A_262 = arith.minsi %get3A_260, %min3A_261 : vector<16xi32>
      %shift_right_arithmetic3A = arith.constant 7 : i32
      %shift_right_arithmetic3A_263 = vector.broadcast %shift_right_arithmetic3A : i32 to vector<16xi32>
      %shift_right_arithmetic3A_264 = arith.shrsi %min3A_262, %shift_right_arithmetic3A_263 : vector<16xi32>
      %shift_left3A = arith.constant 8 : i32
      %shift_left3A_265 = vector.broadcast %shift_left3A : i32 to vector<16xi32>
      %shift_left3A_266 = arith.shli %shift_right_arithmetic3A_264, %shift_left3A_265 : vector<16xi32>
      %add3A_267 = arith.constant 0 : i32
      %add3A_268 = vector.broadcast %add3A_267 : i32 to vector<16xi32>
      %add3A_269 = arith.addi %shift_left3A_266, %add3A_268 : vector<16xi32>
      %and3A = arith.constant 127 : i32
      %and3A_270 = vector.broadcast %and3A : i32 to vector<16xi32>
      %and3A_271 = arith.andi %min3A_262, %and3A_270 : vector<16xi32>
      %add3A_272 = arith.addi %add3A_269, %and3A_271 : vector<16xi32>
      %mul3A_273 = arith.constant 16 : i32
      %mul3A_274 = arith.muli %scan3A_254, %mul3A_273 : i32
      %swap3A = arith.constant 4 : i32
      %swap3A_275 = arith.index_cast %swap3A : i32 to index
      %swap3A_276 = arith.index_cast %mul3A_274 : i32 to index
      %swap3A_277 = tpu.vector_load %arg12[%swap3A_275, %swap3A_276] {strides = array<i32>} : memref<8x128xi32, #tpu.memory_space<vmem>>, vector<16xi32>,
      tpu.vector_store %arg12[%swap3A_275, %swap3A_276], %add3A_272 {strides = array<i32>} : memref<8x128xi32, #tpu.memory_space<vmem>>, vector<16xi32>,
    }
    %scan3A_31 = arith.constant 8 : i32
    %scan3A_32 = arith.constant 0 : i32
    %scan3A_33 = arith.constant 0 : i32
    %scan3A_34 = arith.constant 8 : i32
    %scan3A_35 = arith.addi %scan3A_33, %scan3A_34 : i32
    %scan3A_36 = arith.constant 1 : i32
    scf.for %scan3A_254 = %scan3A_33 to %scan3A_35 step %scan3A_36  : i32 {
      %mul3A_255 = arith.constant 16 : i32
      %mul3A_256 = arith.muli %scan3A_254, %mul3A_255 : i32
      %add3A_257 = arith.constant 256 : i32
      %add3A_258 = arith.addi %add3A_257, %mul3A_256 : i32
      %get3A_259 = arith.index_cast %add3A_258 : i32 to index
      %get3A_260 = tpu.vector_load %arg11[%get3A_259] {strides = array<i32>} : memref<512xi32, #tpu.memory_space<vmem>>, vector<16xi32>,
      %min3A = arith.constant 999935 : i32
      %min3A_261 = vector.broadcast %min3A : i32 to vector<16xi32>
      %min3A_262 = arith.minsi %get3A_260, %min3A_261 : vector<16xi32>
      %shift_right_arithmetic3A = arith.constant 7 : i32
      %shift_right_arithmetic3A_263 = vector.broadcast %shift_right_arithmetic3A : i32 to vector<16xi32>
      %shift_right_arithmetic3A_264 = arith.shrsi %min3A_262, %shift_right_arithmetic3A_263 : vector<16xi32>
      %shift_left3A = arith.constant 8 : i32
      %shift_left3A_265 = vector.broadcast %shift_left3A : i32 to vector<16xi32>
      %shift_left3A_266 = arith.shli %shift_right_arithmetic3A_264, %shift_left3A_265 : vector<16xi32>
      %add3A_267 = arith.constant 128 : i32
      %add3A_268 = vector.broadcast %add3A_267 : i32 to vector<16xi32>
      %add3A_269 = arith.addi %shift_left3A_266, %add3A_268 : vector<16xi32>
      %and3A = arith.constant 127 : i32
      %and3A_270 = vector.broadcast %and3A : i32 to vector<16xi32>
      %and3A_271 = arith.andi %min3A_262, %and3A_270 : vector<16xi32>
      %add3A_272 = arith.addi %add3A_269, %and3A_271 : vector<16xi32>
      %mul3A_273 = arith.constant 16 : i32
      %mul3A_274 = arith.muli %scan3A_254, %mul3A_273 : i32
      %swap3A = arith.constant 5 : i32
      %swap3A_275 = arith.index_cast %swap3A : i32 to index
      %swap3A_276 = arith.index_cast %mul3A_274 : i32 to index
      %swap3A_277 = tpu.vector_load %arg12[%swap3A_275, %swap3A_276] {strides = array<i32>} : memref<8x128xi32, #tpu.memory_space<vmem>>, vector<16xi32>,
      tpu.vector_store %arg12[%swap3A_275, %swap3A_276], %add3A_272 {strides = array<i32>} : memref<8x128xi32, #tpu.memory_space<vmem>>, vector<16xi32>,
    }
    %scan3A_37 = arith.constant 8 : i32
    %scan3A_38 = arith.constant 0 : i32
    %scan3A_39 = arith.constant 0 : i32
    %scan3A_40 = arith.constant 8 : i32
    %scan3A_41 = arith.addi %scan3A_39, %scan3A_40 : i32
    %scan3A_42 = arith.constant 1 : i32
    scf.for %scan3A_254 = %scan3A_39 to %scan3A_41 step %scan3A_42  : i32 {
      %mul3A_255 = arith.constant 16 : i32
      %mul3A_256 = arith.muli %scan3A_254, %mul3A_255 : i32
      %add3A_257 = arith.constant 384 : i32
      %add3A_258 = arith.addi %add3A_257, %mul3A_256 : i32
      %get3A_259 = arith.index_cast %add3A_258 : i32 to index
      %get3A_260 = tpu.vector_load %arg11[%get3A_259] {strides = array<i32>} : memref<512xi32, #tpu.memory_space<vmem>>, vector<16xi32>,
      %min3A = arith.constant 999935 : i32
      %min3A_261 = vector.broadcast %min3A : i32 to vector<16xi32>
      %min3A_262 = arith.minsi %get3A_260, %min3A_261 : vector<16xi32>
      %shift_right_arithmetic3A = arith.constant 7 : i32
      %shift_right_arithmetic3A_263 = vector.broadcast %shift_right_arithmetic3A : i32 to vector<16xi32>
      %shift_right_arithmetic3A_264 = arith.shrsi %min3A_262, %shift_right_arithmetic3A_263 : vector<16xi32>
      %shift_left3A = arith.constant 8 : i32
      %shift_left3A_265 = vector.broadcast %shift_left3A : i32 to vector<16xi32>
      %shift_left3A_266 = arith.shli %shift_right_arithmetic3A_264, %shift_left3A_265 : vector<16xi32>
      %add3A_267 = arith.constant 0 : i32
      %add3A_268 = vector.broadcast %add3A_267 : i32 to vector<16xi32>
      %add3A_269 = arith.addi %shift_left3A_266, %add3A_268 : vector<16xi32>
      %and3A = arith.constant 127 : i32
      %and3A_270 = vector.broadcast %and3A : i32 to vector<16xi32>
      %and3A_271 = arith.andi %min3A_262, %and3A_270 : vector<16xi32>
      %add3A_272 = arith.addi %add3A_269, %and3A_271 : vector<16xi32>
      %mul3A_273 = arith.constant 16 : i32
      %mul3A_274 = arith.muli %scan3A_254, %mul3A_273 : i32
      %swap3A = arith.constant 6 : i32
      %swap3A_275 = arith.index_cast %swap3A : i32 to index
      %swap3A_276 = arith.index_cast %mul3A_274 : i32 to index
      %swap3A_277 = tpu.vector_load %arg12[%swap3A_275, %swap3A_276] {strides = array<i32>} : memref<8x128xi32, #tpu.memory_space<vmem>>, vector<16xi32>,
      tpu.vector_store %arg12[%swap3A_275, %swap3A_276], %add3A_272 {strides = array<i32>} : memref<8x128xi32, #tpu.memory_space<vmem>>, vector<16xi32>,
    }
    %scan3A_43 = arith.constant 8 : i32
    %scan3A_44 = arith.constant 0 : i32
    %scan3A_45 = arith.constant 0 : i32
    %scan3A_46 = arith.constant 8 : i32
    %scan3A_47 = arith.addi %scan3A_45, %scan3A_46 : i32
    %scan3A_48 = arith.constant 1 : i32
    scf.for %scan3A_254 = %scan3A_45 to %scan3A_47 step %scan3A_48  : i32 {
      %mul3A_255 = arith.constant 16 : i32
      %mul3A_256 = arith.muli %scan3A_254, %mul3A_255 : i32
      %add3A_257 = arith.constant 384 : i32
      %add3A_258 = arith.addi %add3A_257, %mul3A_256 : i32
      %get3A_259 = arith.index_cast %add3A_258 : i32 to index
      %get3A_260 = tpu.vector_load %arg11[%get3A_259] {strides = array<i32>} : memref<512xi32, #tpu.memory_space<vmem>>, vector<16xi32>,
      %min3A = arith.constant 999935 : i32
      %min3A_261 = vector.broadcast %min3A : i32 to vector<16xi32>
      %min3A_262 = arith.minsi %get3A_260, %min3A_261 : vector<16xi32>
      %shift_right_arithmetic3A = arith.constant 7 : i32
      %shift_right_arithmetic3A_263 = vector.broadcast %shift_right_arithmetic3A : i32 to vector<16xi32>
      %shift_right_arithmetic3A_264 = arith.shrsi %min3A_262, %shift_right_arithmetic3A_263 : vector<16xi32>
      %shift_left3A = arith.constant 8 : i32
      %shift_left3A_265 = vector.broadcast %shift_left3A : i32 to vector<16xi32>
      %shift_left3A_266 = arith.shli %shift_right_arithmetic3A_264, %shift_left3A_265 : vector<16xi32>
      %add3A_267 = arith.constant 128 : i32
      %add3A_268 = vector.broadcast %add3A_267 : i32 to vector<16xi32>
      %add3A_269 = arith.addi %shift_left3A_266, %add3A_268 : vector<16xi32>
      %and3A = arith.constant 127 : i32
      %and3A_270 = vector.broadcast %and3A : i32 to vector<16xi32>
      %and3A_271 = arith.andi %min3A_262, %and3A_270 : vector<16xi32>
      %add3A_272 = arith.addi %add3A_269, %and3A_271 : vector<16xi32>
      %mul3A_273 = arith.constant 16 : i32
      %mul3A_274 = arith.muli %scan3A_254, %mul3A_273 : i32
      %swap3A = arith.constant 7 : i32
      %swap3A_275 = arith.index_cast %swap3A : i32 to index
      %swap3A_276 = arith.index_cast %mul3A_274 : i32 to index
      %swap3A_277 = tpu.vector_load %arg12[%swap3A_275, %swap3A_276] {strides = array<i32>} : memref<8x128xi32, #tpu.memory_space<vmem>>, vector<16xi32>,
      tpu.vector_store %arg12[%swap3A_275, %swap3A_276], %add3A_272 {strides = array<i32>} : memref<8x128xi32, #tpu.memory_space<vmem>>, vector<16xi32>,
    }
    %scan3A_49 = arith.constant 8 : i32
    %dma_start3A = arith.constant 0 : i32
    %dma_start3A_50 = arith.constant 0 : i32
    %dma_start3A_51 = tpu.memref_slice %arg13[%dma_start3A_50] : memref<1024xf32, #tpu.memory_space<vmem>> -> memref<128xf32, #tpu.memory_space<vmem>>
    %dma_start3A_52 = arith.constant 0 : i32
    %dma_start3A_53 = tpu.memref_slice %arg12[%dma_start3A, %dma_start3A_52] : memref<8x128xi32, #tpu.memory_space<vmem>> -> memref<1x128xi32, #tpu.memory_space<vmem>>
    %dma_start3A_54 = tpu.memref_squeeze %dma_start3A_53 : memref<1x128xi32, #tpu.memory_space<vmem>> -> memref<128xi32, #tpu.memory_space<vmem>>
    %dma_start3A_55 = arith.constant 0 : i32
    %dma_start3A_56 = tpu.memref_slice %arg8[%dma_start3A_55] : memref<1999872xf32, #tpu.memory_space<hbm>> -> memref<1999872xf32, #tpu.memory_space<hbm>>
    tpu.enqueue_indirect_dma source(%dma_start3A_56 : memref<1999872xf32, #tpu.memory_space<hbm>>) target(%dma_start3A_51 : memref<128xf32, #tpu.memory_space<vmem>>) offsets(%dma_start3A_54 : memref<128xi32, #tpu.memory_space<vmem>>) semaphore(%arg20 : memref<!tpu.dma_semaphore, #tpu.memory_space<semaphore_mem>>)
    %dma_start3A_57 = arith.constant 1 : i32
    %dma_start3A_58 = arith.constant 128 : i32
    %dma_start3A_59 = tpu.memref_slice %arg13[%dma_start3A_58] : memref<1024xf32, #tpu.memory_space<vmem>> -> memref<128xf32, #tpu.memory_space<vmem>>
    %dma_start3A_60 = arith.constant 0 : i32
    %dma_start3A_61 = tpu.memref_slice %arg12[%dma_start3A_57, %dma_start3A_60] : memref<8x128xi32, #tpu.memory_space<vmem>> -> memref<1x128xi32, #tpu.memory_space<vmem>>
    %dma_start3A_62 = tpu.memref_squeeze %dma_start3A_61 : memref<1x128xi32, #tpu.memory_space<vmem>> -> memref<128xi32, #tpu.memory_space<vmem>>
    %dma_start3A_63 = arith.constant 0 : i32
    %dma_start3A_64 = tpu.memref_slice %arg8[%dma_start3A_63] : memref<1999872xf32, #tpu.memory_space<hbm>> -> memref<1999872xf32, #tpu.memory_space<hbm>>
    tpu.enqueue_indirect_dma source(%dma_start3A_64 : memref<1999872xf32, #tpu.memory_space<hbm>>) target(%dma_start3A_59 : memref<128xf32, #tpu.memory_space<vmem>>) offsets(%dma_start3A_62 : memref<128xi32, #tpu.memory_space<vmem>>) semaphore(%arg20 : memref<!tpu.dma_semaphore, #tpu.memory_space<semaphore_mem>>)
    %dma_start3A_65 = arith.constant 2 : i32
    %dma_start3A_66 = arith.constant 256 : i32
    %dma_start3A_67 = tpu.memref_slice %arg13[%dma_start3A_66] : memref<1024xf32, #tpu.memory_space<vmem>> -> memref<128xf32, #tpu.memory_space<vmem>>
    %dma_start3A_68 = arith.constant 0 : i32
    %dma_start3A_69 = tpu.memref_slice %arg12[%dma_start3A_65, %dma_start3A_68] : memref<8x128xi32, #tpu.memory_space<vmem>> -> memref<1x128xi32, #tpu.memory_space<vmem>>
    %dma_start3A_70 = tpu.memref_squeeze %dma_start3A_69 : memref<1x128xi32, #tpu.memory_space<vmem>> -> memref<128xi32, #tpu.memory_space<vmem>>
    %dma_start3A_71 = arith.constant 0 : i32
    %dma_start3A_72 = tpu.memref_slice %arg8[%dma_start3A_71] : memref<1999872xf32, #tpu.memory_space<hbm>> -> memref<1999872xf32, #tpu.memory_space<hbm>>
    tpu.enqueue_indirect_dma source(%dma_start3A_72 : memref<1999872xf32, #tpu.memory_space<hbm>>) target(%dma_start3A_67 : memref<128xf32, #tpu.memory_space<vmem>>) offsets(%dma_start3A_70 : memref<128xi32, #tpu.memory_space<vmem>>) semaphore(%arg20 : memref<!tpu.dma_semaphore, #tpu.memory_space<semaphore_mem>>)
    %dma_start3A_73 = arith.constant 3 : i32
    %dma_start3A_74 = arith.constant 384 : i32
    %dma_start3A_75 = tpu.memref_slice %arg13[%dma_start3A_74] : memref<1024xf32, #tpu.memory_space<vmem>> -> memref<128xf32, #tpu.memory_space<vmem>>
    %dma_start3A_76 = arith.constant 0 : i32
    %dma_start3A_77 = tpu.memref_slice %arg12[%dma_start3A_73, %dma_start3A_76] : memref<8x128xi32, #tpu.memory_space<vmem>> -> memref<1x128xi32, #tpu.memory_space<vmem>>
    %dma_start3A_78 = tpu.memref_squeeze %dma_start3A_77 : memref<1x128xi32, #tpu.memory_space<vmem>> -> memref<128xi32, #tpu.memory_space<vmem>>
    %dma_start3A_79 = arith.constant 0 : i32
    %dma_start3A_80 = tpu.memref_slice %arg8[%dma_start3A_79] : memref<1999872xf32, #tpu.memory_space<hbm>> -> memref<1999872xf32, #tpu.memory_space<hbm>>
    tpu.enqueue_indirect_dma source(%dma_start3A_80 : memref<1999872xf32, #tpu.memory_space<hbm>>) target(%dma_start3A_75 : memref<128xf32, #tpu.memory_space<vmem>>) offsets(%dma_start3A_78 : memref<128xi32, #tpu.memory_space<vmem>>) semaphore(%arg20 : memref<!tpu.dma_semaphore, #tpu.memory_space<semaphore_mem>>)
    %dma_start3A_81 = arith.constant 4 : i32
    %dma_start3A_82 = arith.constant 512 : i32
    %dma_start3A_83 = tpu.memref_slice %arg13[%dma_start3A_82] : memref<1024xf32, #tpu.memory_space<vmem>> -> memref<128xf32, #tpu.memory_space<vmem>>
    %dma_start3A_84 = arith.constant 0 : i32
    %dma_start3A_85 = tpu.memref_slice %arg12[%dma_start3A_81, %dma_start3A_84] : memref<8x128xi32, #tpu.memory_space<vmem>> -> memref<1x128xi32, #tpu.memory_space<vmem>>
    %dma_start3A_86 = tpu.memref_squeeze %dma_start3A_85 : memref<1x128xi32, #tpu.memory_space<vmem>> -> memref<128xi32, #tpu.memory_space<vmem>>
    %dma_start3A_87 = arith.constant 0 : i32
    %dma_start3A_88 = tpu.memref_slice %arg8[%dma_start3A_87] : memref<1999872xf32, #tpu.memory_space<hbm>> -> memref<1999872xf32, #tpu.memory_space<hbm>>
    tpu.enqueue_indirect_dma source(%dma_start3A_88 : memref<1999872xf32, #tpu.memory_space<hbm>>) target(%dma_start3A_83 : memref<128xf32, #tpu.memory_space<vmem>>) offsets(%dma_start3A_86 : memref<128xi32, #tpu.memory_space<vmem>>) semaphore(%arg20 : memref<!tpu.dma_semaphore, #tpu.memory_space<semaphore_mem>>)
    %dma_start3A_89 = arith.constant 5 : i32
    %dma_start3A_90 = arith.constant 640 : i32
    %dma_start3A_91 = tpu.memref_slice %arg13[%dma_start3A_90] : memref<1024xf32, #tpu.memory_space<vmem>> -> memref<128xf32, #tpu.memory_space<vmem>>
    %dma_start3A_92 = arith.constant 0 : i32
    %dma_start3A_93 = tpu.memref_slice %arg12[%dma_start3A_89, %dma_start3A_92] : memref<8x128xi32, #tpu.memory_space<vmem>> -> memref<1x128xi32, #tpu.memory_space<vmem>>
    %dma_start3A_94 = tpu.memref_squeeze %dma_start3A_93 : memref<1x128xi32, #tpu.memory_space<vmem>> -> memref<128xi32, #tpu.memory_space<vmem>>
    %dma_start3A_95 = arith.constant 0 : i32
    %dma_start3A_96 = tpu.memref_slice %arg8[%dma_start3A_95] : memref<1999872xf32, #tpu.memory_space<hbm>> -> memref<1999872xf32, #tpu.memory_space<hbm>>
    tpu.enqueue_indirect_dma source(%dma_start3A_96 : memref<1999872xf32, #tpu.memory_space<hbm>>) target(%dma_start3A_91 : memref<128xf32, #tpu.memory_space<vmem>>) offsets(%dma_start3A_94 : memref<128xi32, #tpu.memory_space<vmem>>) semaphore(%arg20 : memref<!tpu.dma_semaphore, #tpu.memory_space<semaphore_mem>>)
    %dma_start3A_97 = arith.constant 6 : i32
    %dma_start3A_98 = arith.constant 768 : i32
    %dma_start3A_99 = tpu.memref_slice %arg13[%dma_start3A_98] : memref<1024xf32, #tpu.memory_space<vmem>> -> memref<128xf32, #tpu.memory_space<vmem>>
    %dma_start3A_100 = arith.constant 0 : i32
    %dma_start3A_101 = tpu.memref_slice %arg12[%dma_start3A_97, %dma_start3A_100] : memref<8x128xi32, #tpu.memory_space<vmem>> -> memref<1x128xi32, #tpu.memory_space<vmem>>
    %dma_start3A_102 = tpu.memref_squeeze %dma_start3A_101 : memref<1x128xi32, #tpu.memory_space<vmem>> -> memref<128xi32, #tpu.memory_space<vmem>>
    %dma_start3A_103 = arith.constant 0 : i32
    %dma_start3A_104 = tpu.memref_slice %arg8[%dma_start3A_103] : memref<1999872xf32, #tpu.memory_space<hbm>> -> memref<1999872xf32, #tpu.memory_space<hbm>>
    tpu.enqueue_indirect_dma source(%dma_start3A_104 : memref<1999872xf32, #tpu.memory_space<hbm>>) target(%dma_start3A_99 : memref<128xf32, #tpu.memory_space<vmem>>) offsets(%dma_start3A_102 : memref<128xi32, #tpu.memory_space<vmem>>) semaphore(%arg20 : memref<!tpu.dma_semaphore, #tpu.memory_space<semaphore_mem>>)
    %dma_start3A_105 = arith.constant 7 : i32
    %dma_start3A_106 = arith.constant 896 : i32
    %dma_start3A_107 = tpu.memref_slice %arg13[%dma_start3A_106] : memref<1024xf32, #tpu.memory_space<vmem>> -> memref<128xf32, #tpu.memory_space<vmem>>
    %dma_start3A_108 = arith.constant 0 : i32
    %dma_start3A_109 = tpu.memref_slice %arg12[%dma_start3A_105, %dma_start3A_108] : memref<8x128xi32, #tpu.memory_space<vmem>> -> memref<1x128xi32, #tpu.memory_space<vmem>>
    %dma_start3A_110 = tpu.memref_squeeze %dma_start3A_109 : memref<1x128xi32, #tpu.memory_space<vmem>> -> memref<128xi32, #tpu.memory_space<vmem>>
    %dma_start3A_111 = arith.constant 0 : i32
    %dma_start3A_112 = tpu.memref_slice %arg8[%dma_start3A_111] : memref<1999872xf32, #tpu.memory_space<hbm>> -> memref<1999872xf32, #tpu.memory_space<hbm>>
    tpu.enqueue_indirect_dma source(%dma_start3A_112 : memref<1999872xf32, #tpu.memory_space<hbm>>) target(%dma_start3A_107 : memref<128xf32, #tpu.memory_space<vmem>>) offsets(%dma_start3A_110 : memref<128xi32, #tpu.memory_space<vmem>>) semaphore(%arg20 : memref<!tpu.dma_semaphore, #tpu.memory_space<semaphore_mem>>)
    "tpu.region"() ({
      %run_scoped3A = tpu.sem_alloc : memref<!tpu.dma_semaphore, #tpu.memory_space<semaphore_mem>>
      %dma_start3A_254 = tpu.memref_slice %arg2[%mul3A_2] : memref<16384xf32, #tpu.memory_space<hbm>> -> memref<512xf32, #tpu.memory_space<hbm>>
      %dma_start3A_255 = tpu.memref_slice %arg2[%mul3A_2] : memref<16384xf32, #tpu.memory_space<hbm>> -> memref<512xf32, #tpu.memory_space<hbm>>
      tpu.enqueue_dma source(%dma_start3A_255 : memref<512xf32, #tpu.memory_space<hbm>>) target(%arg14 : memref<512xf32, #tpu.memory_space<vmem>>) target_semaphore(%run_scoped3A : memref<!tpu.dma_semaphore, #tpu.memory_space<semaphore_mem>>)
      %dma_wait3A_256 = tpu.memref_slice %arg2[%mul3A_2] : memref<16384xf32, #tpu.memory_space<hbm>> -> memref<512xf32, #tpu.memory_space<hbm>>
      %dma_wait3A_257 = tpu.memref_slice %arg2[%mul3A_2] : memref<16384xf32, #tpu.memory_space<hbm>> -> memref<512xf32, #tpu.memory_space<hbm>>
      tpu.wait_dma2 semaphore(%run_scoped3A : memref<!tpu.dma_semaphore, #tpu.memory_space<semaphore_mem>>) src(%dma_wait3A_257 : memref<512xf32, #tpu.memory_space<hbm>>) dst(%arg14 : memref<512xf32, #tpu.memory_space<vmem>>)
      tpu.yield
    }) : () -> ()
    "tpu.region"() ({
      %run_scoped3A = tpu.sem_alloc : memref<!tpu.dma_semaphore, #tpu.memory_space<semaphore_mem>>
      %dma_start3A_254 = tpu.memref_slice %arg3[%mul3A_2] : memref<16384xf32, #tpu.memory_space<hbm>> -> memref<512xf32, #tpu.memory_space<hbm>>
      %dma_start3A_255 = tpu.memref_slice %arg3[%mul3A_2] : memref<16384xf32, #tpu.memory_space<hbm>> -> memref<512xf32, #tpu.memory_space<hbm>>
      tpu.enqueue_dma source(%dma_start3A_255 : memref<512xf32, #tpu.memory_space<hbm>>) target(%arg15 : memref<512xf32, #tpu.memory_space<vmem>>) target_semaphore(%run_scoped3A : memref<!tpu.dma_semaphore, #tpu.memory_space<semaphore_mem>>)
      %dma_wait3A_256 = tpu.memref_slice %arg3[%mul3A_2] : memref<16384xf32, #tpu.memory_space<hbm>> -> memref<512xf32, #tpu.memory_space<hbm>>
      %dma_wait3A_257 = tpu.memref_slice %arg3[%mul3A_2] : memref<16384xf32, #tpu.memory_space<hbm>> -> memref<512xf32, #tpu.memory_space<hbm>>
      tpu.wait_dma2 semaphore(%run_scoped3A : memref<!tpu.dma_semaphore, #tpu.memory_space<semaphore_mem>>) src(%dma_wait3A_257 : memref<512xf32, #tpu.memory_space<hbm>>) dst(%arg15 : memref<512xf32, #tpu.memory_space<vmem>>)
      tpu.yield
    }) : () -> ()
    "tpu.region"() ({
      %run_scoped3A = tpu.sem_alloc : memref<!tpu.dma_semaphore, #tpu.memory_space<semaphore_mem>>
      tpu.enqueue_dma source(%arg9 : memref<128xf32, #tpu.memory_space<hbm>>) target(%arg16 : memref<128xf32, #tpu.memory_space<vmem>>) target_semaphore(%run_scoped3A : memref<!tpu.dma_semaphore, #tpu.memory_space<semaphore_mem>>)
      tpu.wait_dma2 semaphore(%run_scoped3A : memref<!tpu.dma_semaphore, #tpu.memory_space<semaphore_mem>>) src(%arg9 : memref<128xf32, #tpu.memory_space<hbm>>) dst(%arg16 : memref<128xf32, #tpu.memory_space<vmem>>)
      tpu.yield
    }) : () -> ()
    "tpu.region"() ({
      %run_scoped3A = tpu.sem_alloc : memref<!tpu.dma_semaphore, #tpu.memory_space<semaphore_mem>>
      %dma_start3A_254 = arith.constant 0 : i32
      %dma_start3A_255 = tpu.memref_slice %arg17[%dma_start3A_254] : memref<16xf32, #tpu.memory_space<vmem>> -> memref<2xf32, #tpu.memory_space<vmem>>
      %dma_start3A_256 = arith.constant 0 : i32
      %dma_start3A_257 = tpu.memref_slice %arg17[%dma_start3A_256] : memref<16xf32, #tpu.memory_space<vmem>> -> memref<2xf32, #tpu.memory_space<vmem>>
      tpu.enqueue_dma source(%arg5 : memref<2xf32, #tpu.memory_space<hbm>>) target(%dma_start3A_257 : memref<2xf32, #tpu.memory_space<vmem>>) target_semaphore(%run_scoped3A : memref<!tpu.dma_semaphore, #tpu.memory_space<semaphore_mem>>)
      %dma_wait3A_258 = arith.constant 0 : i32
      %dma_wait3A_259 = tpu.memref_slice %arg17[%dma_wait3A_258] : memref<16xf32, #tpu.memory_space<vmem>> -> memref<2xf32, #tpu.memory_space<vmem>>
      %dma_wait3A_260 = arith.constant 0 : i32
      %dma_wait3A_261 = tpu.memref_slice %arg17[%dma_wait3A_260] : memref<16xf32, #tpu.memory_space<vmem>> -> memref<2xf32, #tpu.memory_space<vmem>>
      tpu.wait_dma2 semaphore(%run_scoped3A : memref<!tpu.dma_semaphore, #tpu.memory_space<semaphore_mem>>) src(%arg5 : memref<2xf32, #tpu.memory_space<hbm>>) dst(%dma_wait3A_261 : memref<2xf32, #tpu.memory_space<vmem>>)
      tpu.yield
    }) : () -> ()
    "tpu.region"() ({
      %run_scoped3A = tpu.sem_alloc : memref<!tpu.dma_semaphore, #tpu.memory_space<semaphore_mem>>
      %dma_start3A_254 = arith.constant 0 : i32
      %dma_start3A_255 = tpu.memref_slice %arg18[%dma_start3A_254] : memref<16xf32, #tpu.memory_space<vmem>> -> memref<2xf32, #tpu.memory_space<vmem>>
      %dma_start3A_256 = arith.constant 0 : i32
      %dma_start3A_257 = tpu.memref_slice %arg18[%dma_start3A_256] : memref<16xf32, #tpu.memory_space<vmem>> -> memref<2xf32, #tpu.memory_space<vmem>>
      tpu.enqueue_dma source(%arg6 : memref<2xf32, #tpu.memory_space<hbm>>) target(%dma_start3A_257 : memref<2xf32, #tpu.memory_space<vmem>>) target_semaphore(%run_scoped3A : memref<!tpu.dma_semaphore, #tpu.memory_space<semaphore_mem>>)
      %dma_wait3A_258 = arith.constant 0 : i32
      %dma_wait3A_259 = tpu.memref_slice %arg18[%dma_wait3A_258] : memref<16xf32, #tpu.memory_space<vmem>> -> memref<2xf32, #tpu.memory_space<vmem>>
      %dma_wait3A_260 = arith.constant 0 : i32
      %dma_wait3A_261 = tpu.memref_slice %arg18[%dma_wait3A_260] : memref<16xf32, #tpu.memory_space<vmem>> -> memref<2xf32, #tpu.memory_space<vmem>>
      tpu.wait_dma2 semaphore(%run_scoped3A : memref<!tpu.dma_semaphore, #tpu.memory_space<semaphore_mem>>) src(%arg6 : memref<2xf32, #tpu.memory_space<hbm>>) dst(%dma_wait3A_261 : memref<2xf32, #tpu.memory_space<vmem>>)
      tpu.yield
    }) : () -> ()
    "tpu.region"() ({
      %run_scoped3A = tpu.sem_alloc : memref<!tpu.dma_semaphore, #tpu.memory_space<semaphore_mem>>
      %dma_start3A_254 = arith.constant 0 : i32
      %dma_start3A_255 = tpu.memref_slice %arg19[%dma_start3A_254] : memref<16xf32, #tpu.memory_space<vmem>> -> memref<2xf32, #tpu.memory_space<vmem>>
      %dma_start3A_256 = arith.constant 0 : i32
      %dma_start3A_257 = tpu.memref_slice %arg19[%dma_start3A_256] : memref<16xf32, #tpu.memory_space<vmem>> -> memref<2xf32, #tpu.memory_space<vmem>>
      tpu.enqueue_dma source(%arg7 : memref<2xf32, #tpu.memory_space<hbm>>) target(%dma_start3A_257 : memref<2xf32, #tpu.memory_space<vmem>>) target_semaphore(%run_scoped3A : memref<!tpu.dma_semaphore, #tpu.memory_space<semaphore_mem>>)
      %dma_wait3A_258 = arith.constant 0 : i32
      %dma_wait3A_259 = tpu.memref_slice %arg19[%dma_wait3A_258] : memref<16xf32, #tpu.memory_space<vmem>> -> memref<2xf32, #tpu.memory_space<vmem>>
      %dma_wait3A_260 = arith.constant 0 : i32
      %dma_wait3A_261 = tpu.memref_slice %arg19[%dma_wait3A_260] : memref<16xf32, #tpu.memory_space<vmem>> -> memref<2xf32, #tpu.memory_space<vmem>>
      tpu.wait_dma2 semaphore(%run_scoped3A : memref<!tpu.dma_semaphore, #tpu.memory_space<semaphore_mem>>) src(%arg7 : memref<2xf32, #tpu.memory_space<hbm>>) dst(%dma_wait3A_261 : memref<2xf32, #tpu.memory_space<vmem>>)
      tpu.yield
    }) : () -> ()
    %dma_wait3A = arith.constant 0 : i32
    %dma_wait3A_113 = arith.constant 0 : i32
    %dma_wait3A_114 = tpu.memref_slice %arg13[%dma_wait3A_113] : memref<1024xf32, #tpu.memory_space<vmem>> -> memref<128xf32, #tpu.memory_space<vmem>>
    %dma_wait3A_115 = arith.constant 0 : i32
    %dma_wait3A_116 = tpu.memref_slice %arg12[%dma_wait3A, %dma_wait3A_115] : memref<8x128xi32, #tpu.memory_space<vmem>> -> memref<1x128xi32, #tpu.memory_space<vmem>>
    %dma_wait3A_117 = tpu.memref_squeeze %dma_wait3A_116 : memref<1x128xi32, #tpu.memory_space<vmem>> -> memref<128xi32, #tpu.memory_space<vmem>>
    %dma_wait3A_118 = arith.constant 0 : i32
    %dma_wait3A_119 = tpu.memref_slice %arg8[%dma_wait3A_118] : memref<1999872xf32, #tpu.memory_space<hbm>> -> memref<1999872xf32, #tpu.memory_space<hbm>>
    tpu.wait_indirect_dma semaphore(%arg20 : memref<!tpu.dma_semaphore, #tpu.memory_space<semaphore_mem>>) src(%dma_wait3A_119 : memref<1999872xf32, #tpu.memory_space<hbm>>) dst(%dma_wait3A_114 : memref<128xf32, #tpu.memory_space<vmem>>)
    %dma_wait3A_120 = arith.constant 1 : i32
    %dma_wait3A_121 = arith.constant 128 : i32
    %dma_wait3A_122 = tpu.memref_slice %arg13[%dma_wait3A_121] : memref<1024xf32, #tpu.memory_space<vmem>> -> memref<128xf32, #tpu.memory_space<vmem>>
    %dma_wait3A_123 = arith.constant 0 : i32
    %dma_wait3A_124 = tpu.memref_slice %arg12[%dma_wait3A_120, %dma_wait3A_123] : memref<8x128xi32, #tpu.memory_space<vmem>> -> memref<1x128xi32, #tpu.memory_space<vmem>>
    %dma_wait3A_125 = tpu.memref_squeeze %dma_wait3A_124 : memref<1x128xi32, #tpu.memory_space<vmem>> -> memref<128xi32, #tpu.memory_space<vmem>>
    %dma_wait3A_126 = arith.constant 0 : i32
    %dma_wait3A_127 = tpu.memref_slice %arg8[%dma_wait3A_126] : memref<1999872xf32, #tpu.memory_space<hbm>> -> memref<1999872xf32, #tpu.memory_space<hbm>>
    tpu.wait_indirect_dma semaphore(%arg20 : memref<!tpu.dma_semaphore, #tpu.memory_space<semaphore_mem>>) src(%dma_wait3A_127 : memref<1999872xf32, #tpu.memory_space<hbm>>) dst(%dma_wait3A_122 : memref<128xf32, #tpu.memory_space<vmem>>)
    %dma_wait3A_128 = arith.constant 2 : i32
    %dma_wait3A_129 = arith.constant 256 : i32
    %dma_wait3A_130 = tpu.memref_slice %arg13[%dma_wait3A_129] : memref<1024xf32, #tpu.memory_space<vmem>> -> memref<128xf32, #tpu.memory_space<vmem>>
    %dma_wait3A_131 = arith.constant 0 : i32
    %dma_wait3A_132 = tpu.memref_slice %arg12[%dma_wait3A_128, %dma_wait3A_131] : memref<8x128xi32, #tpu.memory_space<vmem>> -> memref<1x128xi32, #tpu.memory_space<vmem>>
    %dma_wait3A_133 = tpu.memref_squeeze %dma_wait3A_132 : memref<1x128xi32, #tpu.memory_space<vmem>> -> memref<128xi32, #tpu.memory_space<vmem>>
    %dma_wait3A_134 = arith.constant 0 : i32
    %dma_wait3A_135 = tpu.memref_slice %arg8[%dma_wait3A_134] : memref<1999872xf32, #tpu.memory_space<hbm>> -> memref<1999872xf32, #tpu.memory_space<hbm>>
    tpu.wait_indirect_dma semaphore(%arg20 : memref<!tpu.dma_semaphore, #tpu.memory_space<semaphore_mem>>) src(%dma_wait3A_135 : memref<1999872xf32, #tpu.memory_space<hbm>>) dst(%dma_wait3A_130 : memref<128xf32, #tpu.memory_space<vmem>>)
    %dma_wait3A_136 = arith.constant 3 : i32
    %dma_wait3A_137 = arith.constant 384 : i32
    %dma_wait3A_138 = tpu.memref_slice %arg13[%dma_wait3A_137] : memref<1024xf32, #tpu.memory_space<vmem>> -> memref<128xf32, #tpu.memory_space<vmem>>
    %dma_wait3A_139 = arith.constant 0 : i32
    %dma_wait3A_140 = tpu.memref_slice %arg12[%dma_wait3A_136, %dma_wait3A_139] : memref<8x128xi32, #tpu.memory_space<vmem>> -> memref<1x128xi32, #tpu.memory_space<vmem>>
    %dma_wait3A_141 = tpu.memref_squeeze %dma_wait3A_140 : memref<1x128xi32, #tpu.memory_space<vmem>> -> memref<128xi32, #tpu.memory_space<vmem>>
    %dma_wait3A_142 = arith.constant 0 : i32
    %dma_wait3A_143 = tpu.memref_slice %arg8[%dma_wait3A_142] : memref<1999872xf32, #tpu.memory_space<hbm>> -> memref<1999872xf32, #tpu.memory_space<hbm>>
    tpu.wait_indirect_dma semaphore(%arg20 : memref<!tpu.dma_semaphore, #tpu.memory_space<semaphore_mem>>) src(%dma_wait3A_143 : memref<1999872xf32, #tpu.memory_space<hbm>>) dst(%dma_wait3A_138 : memref<128xf32, #tpu.memory_space<vmem>>)
    %dma_wait3A_144 = arith.constant 4 : i32
    %dma_wait3A_145 = arith.constant 512 : i32
    %dma_wait3A_146 = tpu.memref_slice %arg13[%dma_wait3A_145] : memref<1024xf32, #tpu.memory_space<vmem>> -> memref<128xf32, #tpu.memory_space<vmem>>
    %dma_wait3A_147 = arith.constant 0 : i32
    %dma_wait3A_148 = tpu.memref_slice %arg12[%dma_wait3A_144, %dma_wait3A_147] : memref<8x128xi32, #tpu.memory_space<vmem>> -> memref<1x128xi32, #tpu.memory_space<vmem>>
    %dma_wait3A_149 = tpu.memref_squeeze %dma_wait3A_148 : memref<1x128xi32, #tpu.memory_space<vmem>> -> memref<128xi32, #tpu.memory_space<vmem>>
    %dma_wait3A_150 = arith.constant 0 : i32
    %dma_wait3A_151 = tpu.memref_slice %arg8[%dma_wait3A_150] : memref<1999872xf32, #tpu.memory_space<hbm>> -> memref<1999872xf32, #tpu.memory_space<hbm>>
    tpu.wait_indirect_dma semaphore(%arg20 : memref<!tpu.dma_semaphore, #tpu.memory_space<semaphore_mem>>) src(%dma_wait3A_151 : memref<1999872xf32, #tpu.memory_space<hbm>>) dst(%dma_wait3A_146 : memref<128xf32, #tpu.memory_space<vmem>>)
    %dma_wait3A_152 = arith.constant 5 : i32
    %dma_wait3A_153 = arith.constant 640 : i32
    %dma_wait3A_154 = tpu.memref_slice %arg13[%dma_wait3A_153] : memref<1024xf32, #tpu.memory_space<vmem>> -> memref<128xf32, #tpu.memory_space<vmem>>
    %dma_wait3A_155 = arith.constant 0 : i32
    %dma_wait3A_156 = tpu.memref_slice %arg12[%dma_wait3A_152, %dma_wait3A_155] : memref<8x128xi32, #tpu.memory_space<vmem>> -> memref<1x128xi32, #tpu.memory_space<vmem>>
    %dma_wait3A_157 = tpu.memref_squeeze %dma_wait3A_156 : memref<1x128xi32, #tpu.memory_space<vmem>> -> memref<128xi32, #tpu.memory_space<vmem>>
    %dma_wait3A_158 = arith.constant 0 : i32
    %dma_wait3A_159 = tpu.memref_slice %arg8[%dma_wait3A_158] : memref<1999872xf32, #tpu.memory_space<hbm>> -> memref<1999872xf32, #tpu.memory_space<hbm>>
    tpu.wait_indirect_dma semaphore(%arg20 : memref<!tpu.dma_semaphore, #tpu.memory_space<semaphore_mem>>) src(%dma_wait3A_159 : memref<1999872xf32, #tpu.memory_space<hbm>>) dst(%dma_wait3A_154 : memref<128xf32, #tpu.memory_space<vmem>>)
    %dma_wait3A_160 = arith.constant 6 : i32
    %dma_wait3A_161 = arith.constant 768 : i32
    %dma_wait3A_162 = tpu.memref_slice %arg13[%dma_wait3A_161] : memref<1024xf32, #tpu.memory_space<vmem>> -> memref<128xf32, #tpu.memory_space<vmem>>
    %dma_wait3A_163 = arith.constant 0 : i32
    %dma_wait3A_164 = tpu.memref_slice %arg12[%dma_wait3A_160, %dma_wait3A_163] : memref<8x128xi32, #tpu.memory_space<vmem>> -> memref<1x128xi32, #tpu.memory_space<vmem>>
    %dma_wait3A_165 = tpu.memref_squeeze %dma_wait3A_164 : memref<1x128xi32, #tpu.memory_space<vmem>> -> memref<128xi32, #tpu.memory_space<vmem>>
    %dma_wait3A_166 = arith.constant 0 : i32
    %dma_wait3A_167 = tpu.memref_slice %arg8[%dma_wait3A_166] : memref<1999872xf32, #tpu.memory_space<hbm>> -> memref<1999872xf32, #tpu.memory_space<hbm>>
    tpu.wait_indirect_dma semaphore(%arg20 : memref<!tpu.dma_semaphore, #tpu.memory_space<semaphore_mem>>) src(%dma_wait3A_167 : memref<1999872xf32, #tpu.memory_space<hbm>>) dst(%dma_wait3A_162 : memref<128xf32, #tpu.memory_space<vmem>>)
    %dma_wait3A_168 = arith.constant 7 : i32
    %dma_wait3A_169 = arith.constant 896 : i32
    %dma_wait3A_170 = tpu.memref_slice %arg13[%dma_wait3A_169] : memref<1024xf32, #tpu.memory_space<vmem>> -> memref<128xf32, #tpu.memory_space<vmem>>
    %dma_wait3A_171 = arith.constant 0 : i32
    %dma_wait3A_172 = tpu.memref_slice %arg12[%dma_wait3A_168, %dma_wait3A_171] : memref<8x128xi32, #tpu.memory_space<vmem>> -> memref<1x128xi32, #tpu.memory_space<vmem>>
    %dma_wait3A_173 = tpu.memref_squeeze %dma_wait3A_172 : memref<1x128xi32, #tpu.memory_space<vmem>> -> memref<128xi32, #tpu.memory_space<vmem>>
    %dma_wait3A_174 = arith.constant 0 : i32
    %dma_wait3A_175 = tpu.memref_slice %arg8[%dma_wait3A_174] : memref<1999872xf32, #tpu.memory_space<hbm>> -> memref<1999872xf32, #tpu.memory_space<hbm>>
    tpu.wait_indirect_dma semaphore(%arg20 : memref<!tpu.dma_semaphore, #tpu.memory_space<semaphore_mem>>) src(%dma_wait3A_175 : memref<1999872xf32, #tpu.memory_space<hbm>>) dst(%dma_wait3A_170 : memref<128xf32, #tpu.memory_space<vmem>>)
    %broadcast_in_dim3A = arith.constant 0.000000e+00 : f32
    %broadcast_in_dim3A_176 = vector.broadcast %broadcast_in_dim3A : f32 to vector<16xf32>
    %get3A = arith.constant 0 : index
    %get3A_177 = tpu.vector_load %arg17[%get3A] {strides = array<i32>} : memref<16xf32, #tpu.memory_space<vmem>>, vector<16xf32>,
    %get3A_178 = arith.constant 0 : index
    %get3A_179 = tpu.vector_load %arg18[%get3A_178] {strides = array<i32>} : memref<16xf32, #tpu.memory_space<vmem>>, vector<16xf32>,
    %get3A_180 = arith.constant 0 : index
    %get3A_181 = tpu.vector_load %arg19[%get3A_180] {strides = array<i32>} : memref<16xf32, #tpu.memory_space<vmem>>, vector<16xf32>,
    %slice3A = vector.extract_strided_slice %get3A_177 {offsets = [0], sizes = [1], strides = [1]} : vector<16xf32> to vector<1xf32>
    %squeeze3A = vector.extract %slice3A[0] : f32 from vector<1xf32>
    %add3A_182 = vector.broadcast %squeeze3A : f32 to vector<16xf32>
    %add3A_183 = arith.addf %broadcast_in_dim3A_176, %add3A_182 : vector<16xf32>
    %slice3A_184 = vector.extract_strided_slice %get3A_179 {offsets = [0], sizes = [1], strides = [1]} : vector<16xf32> to vector<1xf32>
    %squeeze3A_185 = vector.extract %slice3A_184[0] : f32 from vector<1xf32>
    %add3A_186 = vector.broadcast %squeeze3A_185 : f32 to vector<16xf32>
    %add3A_187 = arith.addf %broadcast_in_dim3A_176, %add3A_186 : vector<16xf32>
    %slice3A_188 = vector.extract_strided_slice %get3A_181 {offsets = [0], sizes = [1], strides = [1]} : vector<16xf32> to vector<1xf32>
    %squeeze3A_189 = vector.extract %slice3A_188[0] : f32 from vector<1xf32>
    %add3A_190 = vector.broadcast %squeeze3A_189 : f32 to vector<16xf32>
    %add3A_191 = arith.addf %broadcast_in_dim3A_176, %add3A_190 : vector<16xf32>
    %slice3A_192 = vector.extract_strided_slice %get3A_177 {offsets = [1], sizes = [1], strides = [1]} : vector<16xf32> to vector<1xf32>
    %squeeze3A_193 = vector.extract %slice3A_192[0] : f32 from vector<1xf32>
    %add3A_194 = vector.broadcast %squeeze3A_193 : f32 to vector<16xf32>
    %add3A_195 = arith.addf %broadcast_in_dim3A_176, %add3A_194 : vector<16xf32>
    %slice3A_196 = vector.extract_strided_slice %get3A_179 {offsets = [1], sizes = [1], strides = [1]} : vector<16xf32> to vector<1xf32>
    %squeeze3A_197 = vector.extract %slice3A_196[0] : f32 from vector<1xf32>
    %add3A_198 = vector.broadcast %squeeze3A_197 : f32 to vector<16xf32>
    %add3A_199 = arith.addf %broadcast_in_dim3A_176, %add3A_198 : vector<16xf32>
    %slice3A_200 = vector.extract_strided_slice %get3A_181 {offsets = [1], sizes = [1], strides = [1]} : vector<16xf32> to vector<1xf32>
    %squeeze3A_201 = vector.extract %slice3A_200[0] : f32 from vector<1xf32>
    %add3A_202 = vector.broadcast %squeeze3A_201 : f32 to vector<16xf32>
    %add3A_203 = arith.addf %broadcast_in_dim3A_176, %add3A_202 : vector<16xf32>
    %scan3A_204 = arith.constant 0 : i32
    %scan3A_205 = arith.constant 0 : i32
    %scan3A_206 = arith.constant 8 : i32
    %scan3A_207 = arith.addi %scan3A_205, %scan3A_206 : i32
    %scan3A_208 = arith.constant 1 : i32
    scf.for %scan3A_254 = %scan3A_205 to %scan3A_207 step %scan3A_208  : i32 {
      %mul3A_255 = arith.constant 16 : i32
      %mul3A_256 = arith.muli %scan3A_254, %mul3A_255 : i32
      %add3A_257 = arith.constant 0 : i32
      %add3A_258 = arith.addi %add3A_257, %mul3A_256 : i32
      %get3A_259 = arith.index_cast %add3A_258 : i32 to index
      %get3A_260 = tpu.vector_load %arg11[%get3A_259] {strides = array<i32>} : memref<512xi32, #tpu.memory_space<vmem>>, vector<16xi32>,
      %get3A_261 = arith.index_cast %add3A_258 : i32 to index
      %get3A_262 = tpu.vector_load %arg14[%get3A_261] {strides = array<i32>} : memref<512xf32, #tpu.memory_space<vmem>>, vector<16xf32>,
      %get3A_263 = arith.index_cast %add3A_258 : i32 to index
      %get3A_264 = tpu.vector_load %arg15[%get3A_263] {strides = array<i32>} : memref<512xf32, #tpu.memory_space<vmem>>, vector<16xf32>,
      %mul3A_265 = arith.constant 16 : i32
      %mul3A_266 = arith.muli %scan3A_254, %mul3A_265 : i32
      %add3A_267 = arith.constant 0 : i32
      %add3A_268 = arith.addi %add3A_267, %mul3A_266 : i32
      %get3A_269 = arith.index_cast %add3A_268 : i32 to index
      %get3A_270 = tpu.vector_load %arg13[%get3A_269] {strides = array<i32>} : memref<1024xf32, #tpu.memory_space<vmem>>, vector<16xf32>,
      %sub3A = arith.constant 999936 : i32
      %sub3A_271 = vector.broadcast %sub3A : i32 to vector<16xi32>
      %sub3A_272 = arith.subi %get3A_260, %sub3A_271 : vector<16xi32>
      %max3A = arith.constant 0 : i32
      %max3A_273 = vector.broadcast %max3A : i32 to vector<16xi32>
      %max3A_274 = arith.maxsi %sub3A_272, %max3A_273 : vector<16xi32>
      %mul3A_275 = arith.constant 2 : i32
      %mul3A_276 = vector.broadcast %mul3A_275 : i32 to vector<16xi32>
      %mul3A_277 = arith.muli %max3A_274, %mul3A_276 : vector<16xi32>
      %add3A_278 = arith.constant 0 : i32
      %add3A_279 = vector.broadcast %add3A_278 : i32 to vector<16xi32>
      %add3A_280 = arith.addi %mul3A_277, %add3A_279 : vector<16xi32>
      %gather3A = tpu.vector_load_idx %arg16[%add3A_280] : memref<128xf32, #tpu.memory_space<vmem>>[vector<16xi32>], vector<16xf32>,
      %ge3A = arith.constant 999936 : i32
      %ge3A_281 = vector.broadcast %ge3A : i32 to vector<16xi32>
      %ge3A_282 = arith.cmpi sge, %get3A_260, %ge3A_281 : vector<16xi32>
      %select_n3A = arith.select %ge3A_282, %gather3A, %get3A_270 : vector<16xi1>, vector<16xf32>
      %add3A_283 = arith.addf %select_n3A, %add3A_183 : vector<16xf32>
      %mul3A_284 = arith.mulf %add3A_187, %get3A_262 : vector<16xf32>
      %add3A_285 = arith.addf %add3A_283, %mul3A_284 : vector<16xf32>
      %mul3A_286 = arith.mulf %add3A_191, %get3A_264 : vector<16xf32>
      %add3A_287 = arith.addf %add3A_285, %mul3A_286 : vector<16xf32>
      %mul3A_288 = arith.constant 16 : i32
      %mul3A_289 = arith.muli %scan3A_254, %mul3A_288 : i32
      %add3A_290 = arith.constant 0 : i32
      %add3A_291 = arith.addi %add3A_290, %mul3A_289 : i32
      %swap3A = arith.index_cast %add3A_291 : i32 to index
      %swap3A_292 = tpu.vector_load %arg13[%swap3A] {strides = array<i32>} : memref<1024xf32, #tpu.memory_space<vmem>>, vector<16xf32>,
      tpu.vector_store %arg13[%swap3A], %add3A_287 {strides = array<i32>} : memref<1024xf32, #tpu.memory_space<vmem>>, vector<16xf32>,
    }
    %scan3A_209 = arith.constant 8 : i32
    %scan3A_210 = arith.constant 0 : i32
    %scan3A_211 = arith.constant 0 : i32
    %scan3A_212 = arith.constant 8 : i32
    %scan3A_213 = arith.addi %scan3A_211, %scan3A_212 : i32
    %scan3A_214 = arith.constant 1 : i32
    scf.for %scan3A_254 = %scan3A_211 to %scan3A_213 step %scan3A_214  : i32 {
      %mul3A_255 = arith.constant 16 : i32
      %mul3A_256 = arith.muli %scan3A_254, %mul3A_255 : i32
      %add3A_257 = arith.constant 0 : i32
      %add3A_258 = arith.addi %add3A_257, %mul3A_256 : i32
      %get3A_259 = arith.index_cast %add3A_258 : i32 to index
      %get3A_260 = tpu.vector_load %arg11[%get3A_259] {strides = array<i32>} : memref<512xi32, #tpu.memory_space<vmem>>, vector<16xi32>,
      %get3A_261 = arith.index_cast %add3A_258 : i32 to index
      %get3A_262 = tpu.vector_load %arg14[%get3A_261] {strides = array<i32>} : memref<512xf32, #tpu.memory_space<vmem>>, vector<16xf32>,
      %get3A_263 = arith.index_cast %add3A_258 : i32 to index
      %get3A_264 = tpu.vector_load %arg15[%get3A_263] {strides = array<i32>} : memref<512xf32, #tpu.memory_space<vmem>>, vector<16xf32>,
      %mul3A_265 = arith.constant 16 : i32
      %mul3A_266 = arith.muli %scan3A_254, %mul3A_265 : i32
      %add3A_267 = arith.constant 128 : i32
      %add3A_268 = arith.addi %add3A_267, %mul3A_266 : i32
      %get3A_269 = arith.index_cast %add3A_268 : i32 to index
      %get3A_270 = tpu.vector_load %arg13[%get3A_269] {strides = array<i32>} : memref<1024xf32, #tpu.memory_space<vmem>>, vector<16xf32>,
      %sub3A = arith.constant 999936 : i32
      %sub3A_271 = vector.broadcast %sub3A : i32 to vector<16xi32>
      %sub3A_272 = arith.subi %get3A_260, %sub3A_271 : vector<16xi32>
      %max3A = arith.constant 0 : i32
      %max3A_273 = vector.broadcast %max3A : i32 to vector<16xi32>
      %max3A_274 = arith.maxsi %sub3A_272, %max3A_273 : vector<16xi32>
      %mul3A_275 = arith.constant 2 : i32
      %mul3A_276 = vector.broadcast %mul3A_275 : i32 to vector<16xi32>
      %mul3A_277 = arith.muli %max3A_274, %mul3A_276 : vector<16xi32>
      %add3A_278 = arith.constant 1 : i32
      %add3A_279 = vector.broadcast %add3A_278 : i32 to vector<16xi32>
      %add3A_280 = arith.addi %mul3A_277, %add3A_279 : vector<16xi32>
      %gather3A = tpu.vector_load_idx %arg16[%add3A_280] : memref<128xf32, #tpu.memory_space<vmem>>[vector<16xi32>], vector<16xf32>,
      %ge3A = arith.constant 999936 : i32
      %ge3A_281 = vector.broadcast %ge3A : i32 to vector<16xi32>
      %ge3A_282 = arith.cmpi sge, %get3A_260, %ge3A_281 : vector<16xi32>
      %select_n3A = arith.select %ge3A_282, %gather3A, %get3A_270 : vector<16xi1>, vector<16xf32>
      %add3A_283 = arith.addf %select_n3A, %add3A_195 : vector<16xf32>
      %mul3A_284 = arith.mulf %add3A_199, %get3A_262 : vector<16xf32>
      %add3A_285 = arith.addf %add3A_283, %mul3A_284 : vector<16xf32>
      %mul3A_286 = arith.mulf %add3A_203, %get3A_264 : vector<16xf32>
      %add3A_287 = arith.addf %add3A_285, %mul3A_286 : vector<16xf32>
      %mul3A_288 = arith.constant 16 : i32
      %mul3A_289 = arith.muli %scan3A_254, %mul3A_288 : i32
      %add3A_290 = arith.constant 128 : i32
      %add3A_291 = arith.addi %add3A_290, %mul3A_289 : i32
      %swap3A = arith.index_cast %add3A_291 : i32 to index
      %swap3A_292 = tpu.vector_load %arg13[%swap3A] {strides = array<i32>} : memref<1024xf32, #tpu.memory_space<vmem>>, vector<16xf32>,
      tpu.vector_store %arg13[%swap3A], %add3A_287 {strides = array<i32>} : memref<1024xf32, #tpu.memory_space<vmem>>, vector<16xf32>,
    }
    %scan3A_215 = arith.constant 8 : i32
    %scan3A_216 = arith.constant 0 : i32
    %scan3A_217 = arith.constant 0 : i32
    %scan3A_218 = arith.constant 8 : i32
    %scan3A_219 = arith.addi %scan3A_217, %scan3A_218 : i32
    %scan3A_220 = arith.constant 1 : i32
    scf.for %scan3A_254 = %scan3A_217 to %scan3A_219 step %scan3A_220  : i32 {
      %mul3A_255 = arith.constant 16 : i32
      %mul3A_256 = arith.muli %scan3A_254, %mul3A_255 : i32
      %add3A_257 = arith.constant 128 : i32
      %add3A_258 = arith.addi %add3A_257, %mul3A_256 : i32
      %get3A_259 = arith.index_cast %add3A_258 : i32 to index
      %get3A_260 = tpu.vector_load %arg11[%get3A_259] {strides = array<i32>} : memref<512xi32, #tpu.memory_space<vmem>>, vector<16xi32>,
      %get3A_261 = arith.index_cast %add3A_258 : i32 to index
      %get3A_262 = tpu.vector_load %arg14[%get3A_261] {strides = array<i32>} : memref<512xf32, #tpu.memory_space<vmem>>, vector<16xf32>,
      %get3A_263 = arith.index_cast %add3A_258 : i32 to index
      %get3A_264 = tpu.vector_load %arg15[%get3A_263] {strides = array<i32>} : memref<512xf32, #tpu.memory_space<vmem>>, vector<16xf32>,
      %mul3A_265 = arith.constant 16 : i32
      %mul3A_266 = arith.muli %scan3A_254, %mul3A_265 : i32
      %add3A_267 = arith.constant 256 : i32
      %add3A_268 = arith.addi %add3A_267, %mul3A_266 : i32
      %get3A_269 = arith.index_cast %add3A_268 : i32 to index
      %get3A_270 = tpu.vector_load %arg13[%get3A_269] {strides = array<i32>} : memref<1024xf32, #tpu.memory_space<vmem>>, vector<16xf32>,
      %sub3A = arith.constant 999936 : i32
      %sub3A_271 = vector.broadcast %sub3A : i32 to vector<16xi32>
      %sub3A_272 = arith.subi %get3A_260, %sub3A_271 : vector<16xi32>
      %max3A = arith.constant 0 : i32
      %max3A_273 = vector.broadcast %max3A : i32 to vector<16xi32>
      %max3A_274 = arith.maxsi %sub3A_272, %max3A_273 : vector<16xi32>
      %mul3A_275 = arith.constant 2 : i32
      %mul3A_276 = vector.broadcast %mul3A_275 : i32 to vector<16xi32>
      %mul3A_277 = arith.muli %max3A_274, %mul3A_276 : vector<16xi32>
      %add3A_278 = arith.constant 0 : i32
      %add3A_279 = vector.broadcast %add3A_278 : i32 to vector<16xi32>
      %add3A_280 = arith.addi %mul3A_277, %add3A_279 : vector<16xi32>
      %gather3A = tpu.vector_load_idx %arg16[%add3A_280] : memref<128xf32, #tpu.memory_space<vmem>>[vector<16xi32>], vector<16xf32>,
      %ge3A = arith.constant 999936 : i32
      %ge3A_281 = vector.broadcast %ge3A : i32 to vector<16xi32>
      %ge3A_282 = arith.cmpi sge, %get3A_260, %ge3A_281 : vector<16xi32>
      %select_n3A = arith.select %ge3A_282, %gather3A, %get3A_270 : vector<16xi1>, vector<16xf32>
      %add3A_283 = arith.addf %select_n3A, %add3A_183 : vector<16xf32>
      %mul3A_284 = arith.mulf %add3A_187, %get3A_262 : vector<16xf32>
      %add3A_285 = arith.addf %add3A_283, %mul3A_284 : vector<16xf32>
      %mul3A_286 = arith.mulf %add3A_191, %get3A_264 : vector<16xf32>
      %add3A_287 = arith.addf %add3A_285, %mul3A_286 : vector<16xf32>
      %mul3A_288 = arith.constant 16 : i32
      %mul3A_289 = arith.muli %scan3A_254, %mul3A_288 : i32
      %add3A_290 = arith.constant 256 : i32
      %add3A_291 = arith.addi %add3A_290, %mul3A_289 : i32
      %swap3A = arith.index_cast %add3A_291 : i32 to index
      %swap3A_292 = tpu.vector_load %arg13[%swap3A] {strides = array<i32>} : memref<1024xf32, #tpu.memory_space<vmem>>, vector<16xf32>,
      tpu.vector_store %arg13[%swap3A], %add3A_287 {strides = array<i32>} : memref<1024xf32, #tpu.memory_space<vmem>>, vector<16xf32>,
    }
    %scan3A_221 = arith.constant 8 : i32
    %scan3A_222 = arith.constant 0 : i32
    %scan3A_223 = arith.constant 0 : i32
    %scan3A_224 = arith.constant 8 : i32
    %scan3A_225 = arith.addi %scan3A_223, %scan3A_224 : i32
    %scan3A_226 = arith.constant 1 : i32
    scf.for %scan3A_254 = %scan3A_223 to %scan3A_225 step %scan3A_226  : i32 {
      %mul3A_255 = arith.constant 16 : i32
      %mul3A_256 = arith.muli %scan3A_254, %mul3A_255 : i32
      %add3A_257 = arith.constant 128 : i32
      %add3A_258 = arith.addi %add3A_257, %mul3A_256 : i32
      %get3A_259 = arith.index_cast %add3A_258 : i32 to index
      %get3A_260 = tpu.vector_load %arg11[%get3A_259] {strides = array<i32>} : memref<512xi32, #tpu.memory_space<vmem>>, vector<16xi32>,
      %get3A_261 = arith.index_cast %add3A_258 : i32 to index
      %get3A_262 = tpu.vector_load %arg14[%get3A_261] {strides = array<i32>} : memref<512xf32, #tpu.memory_space<vmem>>, vector<16xf32>,
      %get3A_263 = arith.index_cast %add3A_258 : i32 to index
      %get3A_264 = tpu.vector_load %arg15[%get3A_263] {strides = array<i32>} : memref<512xf32, #tpu.memory_space<vmem>>, vector<16xf32>,
      %mul3A_265 = arith.constant 16 : i32
      %mul3A_266 = arith.muli %scan3A_254, %mul3A_265 : i32
      %add3A_267 = arith.constant 384 : i32
      %add3A_268 = arith.addi %add3A_267, %mul3A_266 : i32
      %get3A_269 = arith.index_cast %add3A_268 : i32 to index
      %get3A_270 = tpu.vector_load %arg13[%get3A_269] {strides = array<i32>} : memref<1024xf32, #tpu.memory_space<vmem>>, vector<16xf32>,
      %sub3A = arith.constant 999936 : i32
      %sub3A_271 = vector.broadcast %sub3A : i32 to vector<16xi32>
      %sub3A_272 = arith.subi %get3A_260, %sub3A_271 : vector<16xi32>
      %max3A = arith.constant 0 : i32
      %max3A_273 = vector.broadcast %max3A : i32 to vector<16xi32>
      %max3A_274 = arith.maxsi %sub3A_272, %max3A_273 : vector<16xi32>
      %mul3A_275 = arith.constant 2 : i32
      %mul3A_276 = vector.broadcast %mul3A_275 : i32 to vector<16xi32>
      %mul3A_277 = arith.muli %max3A_274, %mul3A_276 : vector<16xi32>
      %add3A_278 = arith.constant 1 : i32
      %add3A_279 = vector.broadcast %add3A_278 : i32 to vector<16xi32>
      %add3A_280 = arith.addi %mul3A_277, %add3A_279 : vector<16xi32>
      %gather3A = tpu.vector_load_idx %arg16[%add3A_280] : memref<128xf32, #tpu.memory_space<vmem>>[vector<16xi32>], vector<16xf32>,
      %ge3A = arith.constant 999936 : i32
      %ge3A_281 = vector.broadcast %ge3A : i32 to vector<16xi32>
      %ge3A_282 = arith.cmpi sge, %get3A_260, %ge3A_281 : vector<16xi32>
      %select_n3A = arith.select %ge3A_282, %gather3A, %get3A_270 : vector<16xi1>, vector<16xf32>
      %add3A_283 = arith.addf %select_n3A, %add3A_195 : vector<16xf32>
      %mul3A_284 = arith.mulf %add3A_199, %get3A_262 : vector<16xf32>
      %add3A_285 = arith.addf %add3A_283, %mul3A_284 : vector<16xf32>
      %mul3A_286 = arith.mulf %add3A_203, %get3A_264 : vector<16xf32>
      %add3A_287 = arith.addf %add3A_285, %mul3A_286 : vector<16xf32>
      %mul3A_288 = arith.constant 16 : i32
      %mul3A_289 = arith.muli %scan3A_254, %mul3A_288 : i32
      %add3A_290 = arith.constant 384 : i32
      %add3A_291 = arith.addi %add3A_290, %mul3A_289 : i32
      %swap3A = arith.index_cast %add3A_291 : i32 to index
      %swap3A_292 = tpu.vector_load %arg13[%swap3A] {strides = array<i32>} : memref<1024xf32, #tpu.memory_space<vmem>>, vector<16xf32>,
      tpu.vector_store %arg13[%swap3A], %add3A_287 {strides = array<i32>} : memref<1024xf32, #tpu.memory_space<vmem>>, vector<16xf32>,
    }
    %scan3A_227 = arith.constant 8 : i32
    %scan3A_228 = arith.constant 0 : i32
    %scan3A_229 = arith.constant 0 : i32
    %scan3A_230 = arith.constant 8 : i32
    %scan3A_231 = arith.addi %scan3A_229, %scan3A_230 : i32
    %scan3A_232 = arith.constant 1 : i32
    scf.for %scan3A_254 = %scan3A_229 to %scan3A_231 step %scan3A_232  : i32 {
      %mul3A_255 = arith.constant 16 : i32
      %mul3A_256 = arith.muli %scan3A_254, %mul3A_255 : i32
      %add3A_257 = arith.constant 256 : i32
      %add3A_258 = arith.addi %add3A_257, %mul3A_256 : i32
      %get3A_259 = arith.index_cast %add3A_258 : i32 to index
      %get3A_260 = tpu.vector_load %arg11[%get3A_259] {strides = array<i32>} : memref<512xi32, #tpu.memory_space<vmem>>, vector<16xi32>,
      %get3A_261 = arith.index_cast %add3A_258 : i32 to index
      %get3A_262 = tpu.vector_load %arg14[%get3A_261] {strides = array<i32>} : memref<512xf32, #tpu.memory_space<vmem>>, vector<16xf32>,
      %get3A_263 = arith.index_cast %add3A_258 : i32 to index
      %get3A_264 = tpu.vector_load %arg15[%get3A_263] {strides = array<i32>} : memref<512xf32, #tpu.memory_space<vmem>>, vector<16xf32>,
      %mul3A_265 = arith.constant 16 : i32
      %mul3A_266 = arith.muli %scan3A_254, %mul3A_265 : i32
      %add3A_267 = arith.constant 512 : i32
      %add3A_268 = arith.addi %add3A_267, %mul3A_266 : i32
      %get3A_269 = arith.index_cast %add3A_268 : i32 to index
      %get3A_270 = tpu.vector_load %arg13[%get3A_269] {strides = array<i32>} : memref<1024xf32, #tpu.memory_space<vmem>>, vector<16xf32>,
      %sub3A = arith.constant 999936 : i32
      %sub3A_271 = vector.broadcast %sub3A : i32 to vector<16xi32>
      %sub3A_272 = arith.subi %get3A_260, %sub3A_271 : vector<16xi32>
      %max3A = arith.constant 0 : i32
      %max3A_273 = vector.broadcast %max3A : i32 to vector<16xi32>
      %max3A_274 = arith.maxsi %sub3A_272, %max3A_273 : vector<16xi32>
      %mul3A_275 = arith.constant 2 : i32
      %mul3A_276 = vector.broadcast %mul3A_275 : i32 to vector<16xi32>
      %mul3A_277 = arith.muli %max3A_274, %mul3A_276 : vector<16xi32>
      %add3A_278 = arith.constant 0 : i32
      %add3A_279 = vector.broadcast %add3A_278 : i32 to vector<16xi32>
      %add3A_280 = arith.addi %mul3A_277, %add3A_279 : vector<16xi32>
      %gather3A = tpu.vector_load_idx %arg16[%add3A_280] : memref<128xf32, #tpu.memory_space<vmem>>[vector<16xi32>], vector<16xf32>,
      %ge3A = arith.constant 999936 : i32
      %ge3A_281 = vector.broadcast %ge3A : i32 to vector<16xi32>
      %ge3A_282 = arith.cmpi sge, %get3A_260, %ge3A_281 : vector<16xi32>
      %select_n3A = arith.select %ge3A_282, %gather3A, %get3A_270 : vector<16xi1>, vector<16xf32>
      %add3A_283 = arith.addf %select_n3A, %add3A_183 : vector<16xf32>
      %mul3A_284 = arith.mulf %add3A_187, %get3A_262 : vector<16xf32>
      %add3A_285 = arith.addf %add3A_283, %mul3A_284 : vector<16xf32>
      %mul3A_286 = arith.mulf %add3A_191, %get3A_264 : vector<16xf32>
      %add3A_287 = arith.addf %add3A_285, %mul3A_286 : vector<16xf32>
      %mul3A_288 = arith.constant 16 : i32
      %mul3A_289 = arith.muli %scan3A_254, %mul3A_288 : i32
      %add3A_290 = arith.constant 512 : i32
      %add3A_291 = arith.addi %add3A_290, %mul3A_289 : i32
      %swap3A = arith.index_cast %add3A_291 : i32 to index
      %swap3A_292 = tpu.vector_load %arg13[%swap3A] {strides = array<i32>} : memref<1024xf32, #tpu.memory_space<vmem>>, vector<16xf32>,
      tpu.vector_store %arg13[%swap3A], %add3A_287 {strides = array<i32>} : memref<1024xf32, #tpu.memory_space<vmem>>, vector<16xf32>,
    }
    %scan3A_233 = arith.constant 8 : i32
    %scan3A_234 = arith.constant 0 : i32
    %scan3A_235 = arith.constant 0 : i32
    %scan3A_236 = arith.constant 8 : i32
    %scan3A_237 = arith.addi %scan3A_235, %scan3A_236 : i32
    %scan3A_238 = arith.constant 1 : i32
    scf.for %scan3A_254 = %scan3A_235 to %scan3A_237 step %scan3A_238  : i32 {
      %mul3A_255 = arith.constant 16 : i32
      %mul3A_256 = arith.muli %scan3A_254, %mul3A_255 : i32
      %add3A_257 = arith.constant 256 : i32
      %add3A_258 = arith.addi %add3A_257, %mul3A_256 : i32
      %get3A_259 = arith.index_cast %add3A_258 : i32 to index
      %get3A_260 = tpu.vector_load %arg11[%get3A_259] {strides = array<i32>} : memref<512xi32, #tpu.memory_space<vmem>>, vector<16xi32>,
      %get3A_261 = arith.index_cast %add3A_258 : i32 to index
      %get3A_262 = tpu.vector_load %arg14[%get3A_261] {strides = array<i32>} : memref<512xf32, #tpu.memory_space<vmem>>, vector<16xf32>,
      %get3A_263 = arith.index_cast %add3A_258 : i32 to index
      %get3A_264 = tpu.vector_load %arg15[%get3A_263] {strides = array<i32>} : memref<512xf32, #tpu.memory_space<vmem>>, vector<16xf32>,
      %mul3A_265 = arith.constant 16 : i32
      %mul3A_266 = arith.muli %scan3A_254, %mul3A_265 : i32
      %add3A_267 = arith.constant 640 : i32
      %add3A_268 = arith.addi %add3A_267, %mul3A_266 : i32
      %get3A_269 = arith.index_cast %add3A_268 : i32 to index
      %get3A_270 = tpu.vector_load %arg13[%get3A_269] {strides = array<i32>} : memref<1024xf32, #tpu.memory_space<vmem>>, vector<16xf32>,
      %sub3A = arith.constant 999936 : i32
      %sub3A_271 = vector.broadcast %sub3A : i32 to vector<16xi32>
      %sub3A_272 = arith.subi %get3A_260, %sub3A_271 : vector<16xi32>
      %max3A = arith.constant 0 : i32
      %max3A_273 = vector.broadcast %max3A : i32 to vector<16xi32>
      %max3A_274 = arith.maxsi %sub3A_272, %max3A_273 : vector<16xi32>
      %mul3A_275 = arith.constant 2 : i32
      %mul3A_276 = vector.broadcast %mul3A_275 : i32 to vector<16xi32>
      %mul3A_277 = arith.muli %max3A_274, %mul3A_276 : vector<16xi32>
      %add3A_278 = arith.constant 1 : i32
      %add3A_279 = vector.broadcast %add3A_278 : i32 to vector<16xi32>
      %add3A_280 = arith.addi %mul3A_277, %add3A_279 : vector<16xi32>
      %gather3A = tpu.vector_load_idx %arg16[%add3A_280] : memref<128xf32, #tpu.memory_space<vmem>>[vector<16xi32>], vector<16xf32>,
      %ge3A = arith.constant 999936 : i32
      %ge3A_281 = vector.broadcast %ge3A : i32 to vector<16xi32>
      %ge3A_282 = arith.cmpi sge, %get3A_260, %ge3A_281 : vector<16xi32>
      %select_n3A = arith.select %ge3A_282, %gather3A, %get3A_270 : vector<16xi1>, vector<16xf32>
      %add3A_283 = arith.addf %select_n3A, %add3A_195 : vector<16xf32>
      %mul3A_284 = arith.mulf %add3A_199, %get3A_262 : vector<16xf32>
      %add3A_285 = arith.addf %add3A_283, %mul3A_284 : vector<16xf32>
      %mul3A_286 = arith.mulf %add3A_203, %get3A_264 : vector<16xf32>
      %add3A_287 = arith.addf %add3A_285, %mul3A_286 : vector<16xf32>
      %mul3A_288 = arith.constant 16 : i32
      %mul3A_289 = arith.muli %scan3A_254, %mul3A_288 : i32
      %add3A_290 = arith.constant 640 : i32
      %add3A_291 = arith.addi %add3A_290, %mul3A_289 : i32
      %swap3A = arith.index_cast %add3A_291 : i32 to index
      %swap3A_292 = tpu.vector_load %arg13[%swap3A] {strides = array<i32>} : memref<1024xf32, #tpu.memory_space<vmem>>, vector<16xf32>,
      tpu.vector_store %arg13[%swap3A], %add3A_287 {strides = array<i32>} : memref<1024xf32, #tpu.memory_space<vmem>>, vector<16xf32>,
    }
    %scan3A_239 = arith.constant 8 : i32
    %scan3A_240 = arith.constant 0 : i32
    %scan3A_241 = arith.constant 0 : i32
    %scan3A_242 = arith.constant 8 : i32
    %scan3A_243 = arith.addi %scan3A_241, %scan3A_242 : i32
    %scan3A_244 = arith.constant 1 : i32
    scf.for %scan3A_254 = %scan3A_241 to %scan3A_243 step %scan3A_244  : i32 {
      %mul3A_255 = arith.constant 16 : i32
      %mul3A_256 = arith.muli %scan3A_254, %mul3A_255 : i32
      %add3A_257 = arith.constant 384 : i32
      %add3A_258 = arith.addi %add3A_257, %mul3A_256 : i32
      %get3A_259 = arith.index_cast %add3A_258 : i32 to index
      %get3A_260 = tpu.vector_load %arg11[%get3A_259] {strides = array<i32>} : memref<512xi32, #tpu.memory_space<vmem>>, vector<16xi32>,
      %get3A_261 = arith.index_cast %add3A_258 : i32 to index
      %get3A_262 = tpu.vector_load %arg14[%get3A_261] {strides = array<i32>} : memref<512xf32, #tpu.memory_space<vmem>>, vector<16xf32>,
      %get3A_263 = arith.index_cast %add3A_258 : i32 to index
      %get3A_264 = tpu.vector_load %arg15[%get3A_263] {strides = array<i32>} : memref<512xf32, #tpu.memory_space<vmem>>, vector<16xf32>,
      %mul3A_265 = arith.constant 16 : i32
      %mul3A_266 = arith.muli %scan3A_254, %mul3A_265 : i32
      %add3A_267 = arith.constant 768 : i32
      %add3A_268 = arith.addi %add3A_267, %mul3A_266 : i32
      %get3A_269 = arith.index_cast %add3A_268 : i32 to index
      %get3A_270 = tpu.vector_load %arg13[%get3A_269] {strides = array<i32>} : memref<1024xf32, #tpu.memory_space<vmem>>, vector<16xf32>,
      %sub3A = arith.constant 999936 : i32
      %sub3A_271 = vector.broadcast %sub3A : i32 to vector<16xi32>
      %sub3A_272 = arith.subi %get3A_260, %sub3A_271 : vector<16xi32>
      %max3A = arith.constant 0 : i32
      %max3A_273 = vector.broadcast %max3A : i32 to vector<16xi32>
      %max3A_274 = arith.maxsi %sub3A_272, %max3A_273 : vector<16xi32>
      %mul3A_275 = arith.constant 2 : i32
      %mul3A_276 = vector.broadcast %mul3A_275 : i32 to vector<16xi32>
      %mul3A_277 = arith.muli %max3A_274, %mul3A_276 : vector<16xi32>
      %add3A_278 = arith.constant 0 : i32
      %add3A_279 = vector.broadcast %add3A_278 : i32 to vector<16xi32>
      %add3A_280 = arith.addi %mul3A_277, %add3A_279 : vector<16xi32>
      %gather3A = tpu.vector_load_idx %arg16[%add3A_280] : memref<128xf32, #tpu.memory_space<vmem>>[vector<16xi32>], vector<16xf32>,
      %ge3A = arith.constant 999936 : i32
      %ge3A_281 = vector.broadcast %ge3A : i32 to vector<16xi32>
      %ge3A_282 = arith.cmpi sge, %get3A_260, %ge3A_281 : vector<16xi32>
      %select_n3A = arith.select %ge3A_282, %gather3A, %get3A_270 : vector<16xi1>, vector<16xf32>
      %add3A_283 = arith.addf %select_n3A, %add3A_183 : vector<16xf32>
      %mul3A_284 = arith.mulf %add3A_187, %get3A_262 : vector<16xf32>
      %add3A_285 = arith.addf %add3A_283, %mul3A_284 : vector<16xf32>
      %mul3A_286 = arith.mulf %add3A_191, %get3A_264 : vector<16xf32>
      %add3A_287 = arith.addf %add3A_285, %mul3A_286 : vector<16xf32>
      %mul3A_288 = arith.constant 16 : i32
      %mul3A_289 = arith.muli %scan3A_254, %mul3A_288 : i32
      %add3A_290 = arith.constant 768 : i32
      %add3A_291 = arith.addi %add3A_290, %mul3A_289 : i32
      %swap3A = arith.index_cast %add3A_291 : i32 to index
      %swap3A_292 = tpu.vector_load %arg13[%swap3A] {strides = array<i32>} : memref<1024xf32, #tpu.memory_space<vmem>>, vector<16xf32>,
      tpu.vector_store %arg13[%swap3A], %add3A_287 {strides = array<i32>} : memref<1024xf32, #tpu.memory_space<vmem>>, vector<16xf32>,
    }
    %scan3A_245 = arith.constant 8 : i32
    %scan3A_246 = arith.constant 0 : i32
    %scan3A_247 = arith.constant 0 : i32
    %scan3A_248 = arith.constant 8 : i32
    %scan3A_249 = arith.addi %scan3A_247, %scan3A_248 : i32
    %scan3A_250 = arith.constant 1 : i32
    scf.for %scan3A_254 = %scan3A_247 to %scan3A_249 step %scan3A_250  : i32 {
      %mul3A_255 = arith.constant 16 : i32
      %mul3A_256 = arith.muli %scan3A_254, %mul3A_255 : i32
      %add3A_257 = arith.constant 384 : i32
      %add3A_258 = arith.addi %add3A_257, %mul3A_256 : i32
      %get3A_259 = arith.index_cast %add3A_258 : i32 to index
      %get3A_260 = tpu.vector_load %arg11[%get3A_259] {strides = array<i32>} : memref<512xi32, #tpu.memory_space<vmem>>, vector<16xi32>,
      %get3A_261 = arith.index_cast %add3A_258 : i32 to index
      %get3A_262 = tpu.vector_load %arg14[%get3A_261] {strides = array<i32>} : memref<512xf32, #tpu.memory_space<vmem>>, vector<16xf32>,
      %get3A_263 = arith.index_cast %add3A_258 : i32 to index
      %get3A_264 = tpu.vector_load %arg15[%get3A_263] {strides = array<i32>} : memref<512xf32, #tpu.memory_space<vmem>>, vector<16xf32>,
      %mul3A_265 = arith.constant 16 : i32
      %mul3A_266 = arith.muli %scan3A_254, %mul3A_265 : i32
      %add3A_267 = arith.constant 896 : i32
      %add3A_268 = arith.addi %add3A_267, %mul3A_266 : i32
      %get3A_269 = arith.index_cast %add3A_268 : i32 to index
      %get3A_270 = tpu.vector_load %arg13[%get3A_269] {strides = array<i32>} : memref<1024xf32, #tpu.memory_space<vmem>>, vector<16xf32>,
      %sub3A = arith.constant 999936 : i32
      %sub3A_271 = vector.broadcast %sub3A : i32 to vector<16xi32>
      %sub3A_272 = arith.subi %get3A_260, %sub3A_271 : vector<16xi32>
      %max3A = arith.constant 0 : i32
      %max3A_273 = vector.broadcast %max3A : i32 to vector<16xi32>
      %max3A_274 = arith.maxsi %sub3A_272, %max3A_273 : vector<16xi32>
      %mul3A_275 = arith.constant 2 : i32
      %mul3A_276 = vector.broadcast %mul3A_275 : i32 to vector<16xi32>
      %mul3A_277 = arith.muli %max3A_274, %mul3A_276 : vector<16xi32>
      %add3A_278 = arith.constant 1 : i32
      %add3A_279 = vector.broadcast %add3A_278 : i32 to vector<16xi32>
      %add3A_280 = arith.addi %mul3A_277, %add3A_279 : vector<16xi32>
      %gather3A = tpu.vector_load_idx %arg16[%add3A_280] : memref<128xf32, #tpu.memory_space<vmem>>[vector<16xi32>], vector<16xf32>,
      %ge3A = arith.constant 999936 : i32
      %ge3A_281 = vector.broadcast %ge3A : i32 to vector<16xi32>
      %ge3A_282 = arith.cmpi sge, %get3A_260, %ge3A_281 : vector<16xi32>
      %select_n3A = arith.select %ge3A_282, %gather3A, %get3A_270 : vector<16xi1>, vector<16xf32>
      %add3A_283 = arith.addf %select_n3A, %add3A_195 : vector<16xf32>
      %mul3A_284 = arith.mulf %add3A_199, %get3A_262 : vector<16xf32>
      %add3A_285 = arith.addf %add3A_283, %mul3A_284 : vector<16xf32>
      %mul3A_286 = arith.mulf %add3A_203, %get3A_264 : vector<16xf32>
      %add3A_287 = arith.addf %add3A_285, %mul3A_286 : vector<16xf32>
      %mul3A_288 = arith.constant 16 : i32
      %mul3A_289 = arith.muli %scan3A_254, %mul3A_288 : i32
      %add3A_290 = arith.constant 896 : i32
      %add3A_291 = arith.addi %add3A_290, %mul3A_289 : i32
      %swap3A = arith.index_cast %add3A_291 : i32 to index
      %swap3A_292 = tpu.vector_load %arg13[%swap3A] {strides = array<i32>} : memref<1024xf32, #tpu.memory_space<vmem>>, vector<16xf32>,
      tpu.vector_store %arg13[%swap3A], %add3A_287 {strides = array<i32>} : memref<1024xf32, #tpu.memory_space<vmem>>, vector<16xf32>,
    }
    %scan3A_251 = arith.constant 8 : i32
    %mul3A_252 = arith.constant 1024 : i32
    %mul3A_253 = arith.muli %add3A, %mul3A_252 : i32
    "tpu.region"() ({
      %run_scoped3A = tpu.sem_alloc : memref<!tpu.dma_semaphore, #tpu.memory_space<semaphore_mem>>
      %dma_start3A_254 = tpu.memref_slice %arg10[%mul3A_253] : memref<32768xf32, #tpu.memory_space<hbm>> -> memref<1024xf32, #tpu.memory_space<hbm>>
      %dma_start3A_255 = tpu.memref_slice %arg10[%mul3A_253] : memref<32768xf32, #tpu.memory_space<hbm>> -> memref<1024xf32, #tpu.memory_space<hbm>>
      tpu.enqueue_dma source(%arg13 : memref<1024xf32, #tpu.memory_space<vmem>>) target(%dma_start3A_255 : memref<1024xf32, #tpu.memory_space<hbm>>) target_semaphore(%run_scoped3A : memref<!tpu.dma_semaphore, #tpu.memory_space<semaphore_mem>>)
      %dma_wait3A_256 = tpu.memref_slice %arg10[%mul3A_253] : memref<32768xf32, #tpu.memory_space<hbm>> -> memref<1024xf32, #tpu.memory_space<hbm>>
      %dma_wait3A_257 = tpu.memref_slice %arg10[%mul3A_253] : memref<32768xf32, #tpu.memory_space<hbm>> -> memref<1024xf32, #tpu.memory_space<hbm>>
      tpu.wait_dma2 semaphore(%run_scoped3A : memref<!tpu.dma_semaphore, #tpu.memory_space<semaphore_mem>>) src(%arg13 : memref<1024xf32, #tpu.memory_space<vmem>>) dst(%dma_wait3A_257 : memref<1024xf32, #tpu.memory_space<hbm>>)
      tpu.yield
    }) : () -> ()
    return
  }
}

</mosaic_0001>

<sc_bundles>
// kernel: _mlmm.3.cloned.1.call-start
scs
__scs_entry_jumppad:
0x0: {  	(pc) =	sbr.rel $0x88, $3  }
0x1: {  	(tag) =	ssettag $0x0;
	lr =	simm.s32 $0x1  }
0x2: {  	[smem:$0x3F9A] =	sst lr;
	_ =	strace $0xD0000000  }
0x3: {  	_ = 	snop  }
0x4: {  	_ = 	snop  }
0x5: {  	_ = 	snop  }
0x6: {  	_ = 	snop  }
0x7: {  	_ = 	snop  }
__scs_overlays_trampoline_lowered:
0x8: {  	[smem:$0x3FA9] =	sst s0  }
0x9: {  	[smem:$0x3FAA] =	sst s1  }
0xa: {  	[smem:$0x3FAB] =	sst s2  }
0xb: {  	[smem:$0x3FAC] =	sst s3  }
0xc: {  	[smem:$0x3FAD] =	sst s4  }
0xd: {  	[smem:$0x3FAE] =	sst s5  }
0xe: {  	[smem:$0x3FAF] =	sst s6  }
0xf: {  	[smem:$0x3FB0] =	sst s7  }
0x10: {  	[smem:$0x3FB1] =	sst s8  }
0x11: {  	[smem:$0x3FB2] =	sst s9;
	s0 =	simm.s32 @!p0 $0x0  }
0x12: {  	s1 =	sld [smem:$0x3F98];
	s0 =	simm.s32 @p0 $0x1  }
0x13: {  	[smem:$0x3FB3] =	sst s0;
	s0 =	simm.s32 @!p1 $0x0  }
0x14: {  	s2 =	sld [smem:$0x3F97];
	s0 =	simm.s32 @p1 $0x1  }
0x15: {  	[smem:$0x3FB4] =	sst s0;
	s0 =	simm.s32 @!p2 $0x0  }
0x16: {  	s3 =	sld [smem:$0x3FDB];
	s0 =	simm.s32 @p2 $0x1  }
0x17: {  	s4 =	simm.s32 $0x1BF5;
	[smem:$0x3FB6] =	sst s0  }
0x18: {  	s0 =	sld [smem:$0x3F99];
	_ =	swait.ge [sflag:s4], $0x0  }
0x19: {  	s7 =	sld [smem:$0x3F9A]  }
0x1a: {  	s8 =	sadd.s32 $0xFFFFE003, lr  }
0x1b: {  	s9 =	sadd.s32 $0xFFFFFEF7, lr;
	s5 =	simm.s32 $0xFFFFFFFF;
	p2 =	slt.u32 s8, $0xFFFFF086  }
0x1c: {  	p1 =	slt.u32 s9, $0xF7A;
	s5 =	simm.s32 @!p2 $0x0  }
0x1d: {  	s5 =	simm.s32 @p1 $0x1;
	p0 =	seq.s32 s7, s2  }
0x1e: {  	s7 =	smul.u32 @!p0 $0xF7A, s2;
	p2 =	seq.s32 @!p0 s5, $0x0  }
0x1f: {  	s9 =	smul.u32 $0xF7A, s1;
	s8 =	simm.s32 @!p0 $0x1BF5;
	p2 =	por !p2, p0  }
0x20: {  	[sflag:s8] =	ssyncset.s32 @!p0 $0xFFFFF086;
	s6 =	sadd.s32 @!p0 s3, s7;
	s7 =	simm.s32 @!p0 $0x108  }
0x21: {  	s3 =	sadd.s32 s3, s9;
	s6 =	sadd.s32 @!p0 $0x88, s6;
	s7 =	simm.s32 @p2 $0x1082  }
0x22: {  	[simem:s7], [sflag:s8] =	dma.local @!p0 [hbm:s6], $0xF7A  }
0x23: {  	s9 =	sor.u32 $0xD0000000, s2;
	s6 =	simm.s32 $0x108;
	_ =	swait.ge @!p0 [sflag:s8], $0x0  }
0x24: {  	s3 =	sadd.s32 $0x88, s3;
	s6 =	simm.s32 @!p1 $0x1082;
	[sflag:s4] =	ssyncset.s32 $0xFFFFF086  }
0x25: {  	[simem:s6], [sflag:s4] =	dma.local [hbm:s3], $0xF7A  }
0x26: {  	[smem:$0x3F9A] =	sst s1;
	(tag) =	ssettag s2;
	_ =	strace s9  }
0x27: {  	s1 =	sld [smem:$0x3FAA]  }
0x28: {  	s2 =	sld [smem:$0x3FAB]  }
0x29: {  	s4 =	sld [smem:$0x3FAD]  }
0x2a: {  	p0 =	seq.s32 s5, $0x0;
	s5 =	sld [smem:$0x3FAE]  }
0x2b: {  	s6 =	sld [smem:$0x3FAF]  }
0x2c: {  	s7 =	sld [smem:$0x3FB0]  }
0x2d: {  	s3 =	simm.s32 $0x108;
	s8 =	sld [smem:$0x3FB1]  }
0x2e: {  	s3 =	simm.s32 @!p0 $0x1082;
	s9 =	sld [smem:$0x3FB2]  }
0x2f: {  	lr =	sadd.s32 s0, s3;
	s0 =	sld [smem:$0x3FA9]  }
0x30: {  	s3 =	sld [smem:$0x3FAC]  }
0x31: {  	[smem:$0x3FB5] =	sst s10  }
0x32: {  	s10 =	sld [smem:$0x3FB3];
	_ =	sdelay $0x3  }
0x33: {  	p0 =	seq.s32 s10, $0x1;
	s10 =	sld [smem:$0x3FB5];
	_ =	sdelay $0x3  }
0x34: {  	[smem:$0x3FB5] =	sst s10  }
0x35: {  	s10 =	sld [smem:$0x3FB4];
	_ =	sdelay $0x3  }
0x36: {  	p1 =	seq.s32 s10, $0x1;
	s10 =	sld [smem:$0x3FB5];
	_ =	sdelay $0x3  }
0x37: {  	[smem:$0x3FB5] =	sst s10  }
0x38: {  	s10 =	sld [smem:$0x3FB6]  }
0x39: {  	_ = 	snop;
	(pc) =	sbr.ind lr, $3  }
0x3a: {  	_ = 	snop  }
0x3b: {  	_ = 	snop  }
0x3c: {  	p2 =	seq.s32 s10, $0x1;
	s10 =	sld [smem:$0x3FB5]  }
0x3d: {  	_ =	shalt  }
0x3e: {  	_ =	shalt  }
0x3f: {  	_ =	shalt  }
0x40: {  	_ =	shalt  }
0x41: {  	_ =	shalt  }
0x42: {  	_ =	shalt  }
0x43: {  	_ =	shalt  }
0x44: {  	_ =	shalt  }
0x45: {  	_ =	shalt  }
0x46: {  	_ =	shalt  }
0x47: {  	_ =	shalt  }
0x48: {  	_ =	shalt  }
0x49: {  	_ =	shalt  }
0x4a: {  	_ =	shalt  }
0x4b: {  	_ =	shalt  }
0x4c: {  	_ =	shalt  }
0x4d: {  	_ =	shalt  }
0x4e: {  	_ =	shalt  }
0x4f: {  	_ =	shalt  }
0x50: {  	_ =	shalt  }
0x51: {  	_ =	shalt  }
0x52: {  	_ =	shalt  }
0x53: {  	_ =	shalt  }
0x54: {  	_ =	shalt  }
0x55: {  	_ =	shalt  }
0x56: {  	_ =	shalt  }
0x57: {  	_ =	shalt  }
0x58: {  	_ =	shalt  }
0x59: {  	_ =	shalt  }
0x5a: {  	_ =	shalt  }
0x5b: {  	_ =	shalt  }
0x5c: {  	_ =	shalt  }
0x5d: {  	_ =	shalt  }
0x5e: {  	_ =	shalt  }
0x5f: {  	_ =	shalt  }
0x60: {  	_ =	shalt  }
0x61: {  	_ =	shalt  }
0x62: {  	_ =	shalt  }
0x63: {  	_ =	shalt  }
0x64: {  	_ =	shalt  }
0x65: {  	_ =	shalt  }
0x66: {  	_ =	shalt  }
0x67: {  	_ =	shalt  }
0x68: {  	_ =	shalt  }
0x69: {  	_ =	shalt  }
0x6a: {  	_ =	shalt  }
0x6b: {  	_ =	shalt  }
0x6c: {  	_ =	shalt  }
0x6d: {  	_ =	shalt  }
0x6e: {  	_ =	shalt  }
0x6f: {  	_ =	shalt  }
0x70: {  	_ =	shalt  }
0x71: {  	_ =	shalt  }
0x72: {  	_ =	shalt  }
0x73: {  	_ =	shalt  }
0x74: {  	_ =	shalt  }
0x75: {  	_ =	shalt  }
0x76: {  	_ =	shalt  }
0x77: {  	_ =	shalt  }
0x78: {  	_ =	shalt  }
0x79: {  	_ =	shalt  }
0x7a: {  	_ =	shalt  }
0x7b: {  	_ =	shalt  }
0x7c: {  	_ =	shalt  }
0x7d: {  	_ =	shalt  }
0x7e: {  	_ =	shalt  }
0x7f: {  	_ =	shalt  }
0x80: {  	_ =	shalt  }
0x81: {  	_ =	shalt  }
0x82: {  	_ =	shalt  }
0x83: {  	_ =	shalt  }
0x84: {  	_ =	shalt  }
0x85: {  	_ =	shalt  }
0x86: {  	_ =	shalt  }
0x87: {  	_ =	shalt  }
.Lfunc_end0:
.L_simem_size_0:
called_computation_lowered:
.L_overlay_start_0:
0x88: {  	s2 =	sld [smem:$0x3FD9]  }
0x89: {  	s3 =	sld [smem:$0x3FFE];
	_ =	sdelay $0x1  }
0x8a: {  	s1 =	srdreg.scid  }
0x8b: {  	s0 =	sand.u32 $0x1, s1  }
0x8c: {  	s17 =	sshll.u32 s0, $0xA;
	s2 =	sadd.s32 s3, s2  }
0x8d: {  	s2 =	sadd.s32 s2, s17  }
0x8e: {  	[smem:$0x3FC1] =	sst s2  }
0x8f: {  	_ = 	snop  }
0x90: {  	s2 =	sld [smem:$0x3FC9]  }
0x91: {  	s18 =	sld [smem:$0x3FC8]  }
0x92: {  	s4 =	sld [smem:$0x3FC7]  }
0x93: {  	s5 =	sld [smem:$0x3FC6]  }
0x94: {  	s6 =	sld [smem:$0x3FC5]  }
0x95: {  	s7 =	sld [smem:$0x3FC4]  }
0x96: {  	s8 =	sld [smem:$0x3FD0];
	(tm) =	ssettm $0x1  }
0x97: {  	s9 =	sld [smem:$0x3FFB];
	_ =	sdelay $0x3  }
0x98: {  	_ =	strace s9  }
0x99: {  	s9 =	sld [smem:$0x3FFC];
	_ =	sdelay $0x3  }
0x9a: {  	_ =	strace s9  }
0x9b: {  	s9 =	sld [smem:$0x3FFD];
	_ =	sdelay $0x3  }
0x9c: {  	_ =	strace s9  }
0x9d: {  	_ =	strace $0x8FFFFFFF  }
0x9e: {  	s19 =	sld [smem:$0x3FDB];
	_ =	sdelay $0x1  }
0x9f: {  	s10 =	simm.s32 $_scs_section_size  }
0xa0: {  	s11 =	simm.s32 $_size__tile_overlayer_lowered;
	s12 =	simm.s32 $_tile_overlayer_lowered  }
0xa1: {  	s22 =	simm.s32 $0x1BFF;
	s21 =	sshll.u32 s12, $0x1;
	s9 =	sadd.s32 s10, s19  }
0xa2: {  	s13 =	simm.s32 $0x0;
	s20 =	sshll.u32 s11, $0x1;
	s11 =	sadd.s32 s21, s9  }
0xa3: {  	[timem:s13], [sflag:s22] =	dma.local [hbm:s11], s20  }
0xa4: {  	_ =	swait.ge [sflag:s22], s20  }
0xa5: {  	s10 =	ssub.s32 $0x0, s20;
	[sflag:s22] =	ssyncset.done $0x0  }
0xa6: {  	[sflag:s22] =	ssyncadd.s32 s10;
	_ =	sdelay $0x1  }
0xa7: {  	s23 =	simm.s32 $0x1B8B  }
0xa8: {  	_ =	swait.ge [sflag:s23], $0x1  }
0xa9: {  	[sflag:s23] =	ssyncset.done $0x0  }
0xaa: {  	s25 =	simm.s32 $0x1B8E;
	s24 =	sld [smem:$0x3FFE];
	[sflag:s23] =	ssyncadd.s32 $0xFFFFFFFF  }
0xab: {  	s26 =	simm.s32 $execute0_lowered;
	[smem:$0x3FD2] =	sst s25  }
0xac: {  	s11 =	sshll.u32 s26, $0x1;
	_ =	strace $0x80000046;
	[dreg:$0x1] =	wrdreg $0xFFFFFFFF  }
0xad: {  	s28 =	simm.s32 $_size_execute0_lowered;
	s9 =	sadd.s32 s9, s11;
	[dreg:$0x0] =	wrdreg $0x0  }
0xae: {  	s11 =	sshll.u32 s28, $0x1;
	[dreg:$0x2] =	wrdreg s9  }
0xaf: {  	[dreg:$0x3] =	wrdreg s11  }
0xb0: {  	[dreg:$0x4] =	wrdreg $0xC0  }
0xb1: {  	_ =	task [dreg:s13], $0x5FFFF  }
0xb2: {  	[dreg:$0x1] =	wrdreg $0xFFFFFFFF  }
0xb3: {  	[dreg:$0x0] =	wrdreg $0x60  }
0xb4: {  	[dreg:$0x2] =	wrdreg s2  }
0xb5: {  	[dreg:$0x3] =	wrdreg s18  }
0xb6: {  	[dreg:$0x4] =	wrdreg s4  }
0xb7: {  	[dreg:$0x5] =	wrdreg s5  }
0xb8: {  	[dreg:$0x6] =	wrdreg s6  }
0xb9: {  	[dreg:$0x7] =	wrdreg s7  }
0xba: {  	[dreg:$0x8] =	wrdreg s24  }
0xbb: {  	[dreg:$0x9] =	wrdreg s8  }
0xbc: {  	[dreg:$0xa] =	wrdreg $0x9  }
0xbd: {  	_ =	task.clear_ibuf [dreg:s13], $0xBFFFF;
	_ =	strace $0x90000046  }
0xbe: {  	s29 =	simm.s32 $0x9;
	_ =	strace $0x80000048  }
0xbf: {  	_ =	swait.ge [sflag:s29], $0x1  }
0xc0: {  	[sflag:s29] =	ssyncadd.s32 $0xFFFFFFFF  }
0xc1: {  	_ =	strace $0x90000048  }
0xc2: {  	_ =	sfence  }
0xc3: {  	s30 =	sld [smem:$0x0];
	_ =	sdelay $0x2  }
0xc4: {  	s31 =	sshll.u32 s1, $0xD;
	s1 =	sshrl.u32 s1, $0x2  }
0xc5: {  	s3 =	sand.u32 $0x4000, s31;
	s1 =	sadd.s32 s1, s30  }
0xc6: {  	s0 =	sor.u32 s3, s0;
	s1 =	sshll.u32 s1, $0x11  }
0xc7: {  	s0 =	sor.u32 s1, s0  }
0xc8: {  	s0 =	sadd.s32 $0x8F2B, s0  }
0xc9: {  	[sflag:s0] =	ssyncadd.remote.s32 $0x1  }
0xca: {  	_ =	sfence.sel $0xFFFF  }
0xcb: {  	[dreg:$0x0] =	wrdreg $0xFFFFFFFF;
	(pc) =	sbr.abs _section_cstart, $3  }
0xcc: {  	[dreg:$0x1] =	wrdreg $0xFFFFFFFF  }
0xcd: {  	_ =	task.clear_ibuf [dreg:s13], $0x2FFFF;
	_ =	strace $0x9FFFFFFF  }
0xce: {  	(tm) =	ssettm $0x7FFFFFFF  }
0xcf: {  	_ =	shalt  }
tec
execute0_lowered:
.L_overlay_start_1:
0x0: {  	(tag) =	ssettag $0x1  }
0x1: {  	s0 =	rddreg [dreg:$0x0]  }
0x2: {  	s4 =	rddreg [dreg:$0x1]  }
0x3: {  	s5 =	rddreg [dreg:$0x2]  }
0x4: {  	s1 =	rddreg [dreg:$0x3]  }
0x5: {  	s22 =	rddreg [dreg:$0x4]  }
0x6: {  	s23 =	rddreg [dreg:$0x5]  }
0x7: {  	s6 =	rddreg [dreg:$0x6]  }
0x8: {  	s7 =	rddreg [dreg:$0x7]  }
0x9: {  	s2 =	simm.s32 $0x0;
	s3 =	srdreg.scid;
	s24 =	stileid.u32  }
0xa: {  	s11 =	simm.s32 $0x280;
	s12 =	simm.s32 $0x680;
	s13 =	simm.s32 $0x300  }
0xb: {  	s14 =	simm.s32 $0x700;
	s15 =	simm.s32 $0x380;
	s16 =	simm.s32 $0x780  }
0xc: {  	s17 =	simm.s32 $0x400;
	s18 =	simm.s32 $0x800;
	s19 =	simm.s32 $0x480  }
0xd: {  	s20 =	simm.s32 $0x880;
	s21 =	simm.s32 $0x500;
	[dreg:$0x9] =	wrdreg s1  }
0xe: {  	s28 =	simm.s32 $0xE00;
	s29 =	simm.s32 $0xE80;
	[dreg:$0xa] =	wrdreg s22  }
0xf: {  	s30 =	simm.s32 $0xE90;
	s31 =	simm.s32 $0xEA0;
	[dreg:$0xb] =	wrdreg s23  }
0x10: {  	[smem:$0x7FF] =	sst s2;
	s8 =	sand.u32 $0x1, s3;
	s9 =	sshll.u32 s24, $0x1  }
0x11: {  	s3 =	sadd.s32 $0xC00, s6;
	s6 =	sadd.s32 $0x3DE00, s6;
	s22 =	simm.s32 $0x900  }
0x12: {  	s23 =	simm.s32 $0x580;
	s24 =	simm.s32 $0x980;
	_ =	strace $0x80000047  }
0x13: {  	s9 =	sor.u32 s8, s9;
	s8 =	ssub.s32 $0x2, s8;
	[dreg:$0xc] =	wrdreg s6  }
0x14: {  	s10 =	sshll.u32 s9, $0x6;
	s25 =	sshrl.u32 s8, $0x1;
	s26 =	sshll.u32 s9, $0x7  }
0x15: {  	s9 =	simm.s32 $0x200;
	s5 =	sadd.s32 s5, s10;
	s6 =	ssub.s32 s8, s25  }
0x16: {  	s0 =	sadd.s32 s0, s10;
	s4 =	sadd.s32 s4, s10;
	s8 =	simm.s32 $0x80  }
0x17: {  	s10 =	simm.s32 $0x600;
	s25 =	simm.s32 $0xA00;
	[dreg:$0xd] =	wrdreg s5  }
0x18: {  	[dreg:$0xe] =	wrdreg s0;
	s5 =	sadd.s32 s7, s26;
	s6 =	smax.u32 s6, $0x1  }
0x19: {  	s7 =	simm.s32 $0x2;
	s26 =	simm.s32 $0xC00;
	s0 =	simm.s32 $0x1  }
.LBB2_1:
0x1a: {  	s1 =	rddreg [dreg:$0xd]  }
0x1b: {  	[tilespmem:s2], [sflag:$0x2] =	stream.linear.gather [hbm4b:s1+s2], $0x200, $0x38;
	[tilespmem:$0xEB0] =	vst v63  }
0x1c: {  	_ =	swait.ge [sflag:s7], $0x200  }
0x1d: {  	[sflag:s7] =	ssyncset.done $0x0  }
0x1e: {  	[sflag:s7] =	ssyncadd.s32 $0xFFFFFE00  }
0x1f: {  	v0 =	vld [tilespmem:$0x0]  }
0x20: {  	v1 =	vld [tilespmem:$0x10]  }
0x21: {  	v2 =	vld [tilespmem:$0x20]  }
0x22: {  	v3 =	vld [tilespmem:$0x30]  }
0x23: {  	v5 =	vld [tilespmem:$0x40]  }
0x24: {  	v39 =	vld [tilespmem:$0x50]  }
0x25: {  	v41 =	vld [tilespmem:$0x60]  }
0x26: {  	v43 =	vld [tilespmem:$0x70]  }
0x27: {  	v45 =	vld [tilespmem:$0x0]  }
0x28: {  	v47 =	vld [tilespmem:$0x10]  }
0x29: {  	v12 =	vld [tilespmem:$0x20]  }
0x2a: {  	v13 =	vld [tilespmem:$0x30]  }
0x2b: {  	v54 =	vld [tilespmem:$0x40]  }
0x2c: {  	v14 =	vld [tilespmem:$0x50]  }
0x2d: {  	v15 =	vld [tilespmem:$0x60]  }
0x2e: {  	v16 =	vld [tilespmem:$0x70];
	vm0 =	vlt.s32 v0, $0xF41FF;
	vm5 =	vlt.s32 v1, $0xF41FF;
	vm6 =	vlt.s32 v2, $0xF41FF  }
0x2f: {  	v17 =	vld [tilespmem:$0x80];
	vm7 =	vlt.s32 v3, $0xF41FF;
	vm8 =	vlt.s32 v5, $0xF41FF;
	vm9 =	vlt.s32 v39, $0xF41FF  }
0x30: {  	v26 =	vld [tilespmem:$0xE0];
	vm10 =	vlt.s32 v41, $0xF41FF;
	vm11 =	vlt.s32 v43, $0xF41FF;
	vm12 =	vlt.s32 v45, $0xF41FF  }
0x31: {  	v30 =	vld [tilespmem:$0xF0];
	vm13 =	vlt.s32 v47, $0xF41FF;
	vm14 =	vlt.s32 v12, $0xF41FF;
	vm15 =	vlt.s32 v13, $0xF41FF  }
0x32: {  	vm4 =	vlt.s32 v54, $0xF41FF;
	v0 =	vnsel vm0, $0xF41FF, v0;
	v1 =	vnsel vm5, $0xF41FF, v1  }
0x33: {  	v2 =	vnsel vm6, $0xF41FF, v2;
	v3 =	vnsel vm7, $0xF41FF, v3;
	v5 =	vnsel vm8, $0xF41FF, v5  }
0x34: {  	v55 =	vnsel vm14, $0xF41FF, v12;
	v13 =	vnsel vm15, $0xF41FF, v13;
	vm5 =	vlt.s32 v14, $0xF41FF  }
0x35: {  	vm6 =	vlt.s32 v15, $0xF41FF;
	vm7 =	vlt.s32 v16, $0xF41FF;
	vm8 =	vlt.s32 v17, $0xF41FF  }
0x36: {  	vm14 =	vlt.s32 v26, $0xF41FF;
	vm15 =	vlt.s32 v30, $0xF41FF;
	v4 =	vshll.u32 v0, $0x1  }
0x37: {  	v37 =	vld [tilespmem:$0x90];
	v0 =	vand.u32 $0x7F, v0;
	v6 =	vshll.u32 v1, $0x1;
	v1 =	vand.u32 $0x7F, v1  }
0x38: {  	v7 =	vshll.u32 v2, $0x1;
	v2 =	vand.u32 $0x7F, v2;
	v8 =	vshll.u32 v3, $0x1  }
0x39: {  	v3 =	vand.u32 $0x7F, v3;
	v9 =	vshll.u32 v5, $0x1;
	v5 =	vand.u32 $0x7F, v5  }
0x3a: {  	v12 =	vshll.u32 v55, $0x1;
	v56 =	vshll.u32 v13, $0x1;
	v13 =	vand.u32 $0x7F, v13  }
0x3b: {  	v18 =	vld [tilespmem:$0x90];
	v58 =	vnsel vm5, $0xF41FF, v14;
	v15 =	vnsel vm6, $0xF41FF, v15;
	v16 =	vnsel vm7, $0xF41FF, v16  }
0x3c: {  	v19 =	vld [tilespmem:$0xA0];
	v61 =	vnsel vm8, $0xF41FF, v17;
	v36 =	vnsel vm14, $0xF41FF, v26;
	vm5 =	vlt.s32 v37, $0xF41FF  }
0x3d: {  	v62 =	vld [tilespmem:$0xB0];
	v4 =	vand.u32 $0xFFFFFF00, v4;
	v38 =	vand.u32 $0xFFFFFF00, v6;
	v40 =	vand.u32 $0xFFFFFF00, v7  }
0x3e: {  	v21 =	vld [tilespmem:$0xC0];
	v42 =	vand.u32 $0xFFFFFF00, v8;
	v44 =	vand.u32 $0xFFFFFF00, v9;
	v6 =	vnsel vm9, $0xF41FF, v39  }
0x3f: {  	v7 =	vnsel vm10, $0xF41FF, v41;
	v8 =	vnsel vm11, $0xF41FF, v43;
	v9 =	vnsel vm12, $0xF41FF, v45  }
0x40: {  	v12 =	vand.u32 $0xFFFFFF00, v12;
	v14 =	vshll.u32 v58, $0x1;
	v59 =	vshll.u32 v15, $0x1  }
0x41: {  	v15 =	vand.u32 $0x7F, v15;
	v60 =	vshll.u32 v16, $0x1;
	v16 =	vand.u32 $0x7F, v16  }
0x42: {  	v20 =	vshll.u32 v61, $0x1;
	vm9 =	vlt.s32 v18, $0xF41FF;
	vm10 =	vlt.s32 v19, $0xF41FF  }
0x43: {  	vm11 =	vlt.s32 v62, $0xF41FF;
	vm12 =	vlt.s32 v21, $0xF41FF;
	v39 =	vnsel vm15, $0xF41FF, v30  }
0x44: {  	v0 =	vor.u32 v0, v4;
	v1 =	vor.u32 v1, v38;
	v2 =	vor.u32 v2, v40  }
0x45: {  	v3 =	vor.u32 v3, v42;
	v10 =	vshll.u32 v6, $0x1;
	v4 =	vor.u32 v5, v44  }
0x46: {  	v6 =	vand.u32 $0x7F, v6;
	v11 =	vshll.u32 v7, $0x1;
	v7 =	vand.u32 $0x7F, v7  }
0x47: {  	v49 =	vshll.u32 v8, $0x1;
	v8 =	vand.u32 $0x7F, v8;
	v51 =	vshll.u32 v9, $0x1  }
0x48: {  	v9 =	vand.u32 $0x7F, v9;
	v14 =	vand.u32 $0xFFFFFF00, v14;
	v20 =	vand.u32 $0xFFFFFF00, v20  }
0x49: {  	v18 =	vnsel vm9, $0xF41FF, v18;
	v19 =	vnsel vm10, $0xF41FF, v19;
	v17 =	vnsel vm11, $0xF41FF, v62  }
0x4a: {  	v22 =	vld [tilespmem:$0xD0];
	v29 =	vnsel vm12, $0xF41FF, v21;
	v38 =	vshll.u32 v36, $0x1;
	v41 =	vshll.u32 v39, $0x1  }
0x4b: {  	v46 =	vand.u32 $0xFFFFFF00, v10;
	v48 =	vand.u32 $0xFFFFFF00, v11;
	v50 =	vand.u32 $0xFFFFFF00, v49  }
0x4c: {  	v11 =	vand.u32 $0xFFFFFF00, v51;
	v10 =	vnsel vm13, $0xF41FF, v47;
	v63 =	vshll.u32 v18, $0x1  }
0x4d: {  	v18 =	vand.u32 $0x7F, v18;
	v24 =	vshll.u32 v19, $0x1;
	v19 =	vand.u32 $0x7F, v19  }
0x4e: {  	v34 =	vld [tilespmem:$0x80];
	v27 =	vshll.u32 v17, $0x1;
	v28 =	vand.u32 $0x7F, v17;
	v31 =	vshll.u32 v29, $0x1  }
0x4f: {  	vm13 =	vlt.s32 v22, $0xF41FF;
	v32 =	vand.u32 $0x7F, v29;
	v5 =	vor.u32 v6, v46  }
0x50: {  	v6 =	vor.u32 v7, v48;
	v7 =	vor.u32 v8, v50;
	v52 =	vor.u32 v11, v9  }
0x51: {  	[tilespmem:$0x210] =	vst v1;
	v53 =	vshll.u32 v10, $0x1;
	v10 =	vand.u32 $0x7F, v10;
	v11 =	vnsel vm4, $0xF41FF, v54  }
0x52: {  	[tilespmem:$0x220] =	vst v2;
	v25 =	vand.u32 $0xFFFFFF00, v24;
	v1 =	vand.u32 $0xFFFFFF00, v27;
	v2 =	vand.u32 $0xFFFFFF00, v31  }
0x53: {  	[tilespmem:$0x200] =	vst v0;
	v33 =	vnsel vm13, $0xF41FF, v22;
	vm4 =	vlt.s32 v34, $0xF41FF;
	v9 =	vand.u32 $0xFFFFFF00, v53  }
0x54: {  	[tilespmem:$0x240] =	vst v4;
	v8 =	vor.u32 $0x80, v52;
	v57 =	vshll.u32 v11, $0x1;
	v11 =	vand.u32 $0x7F, v11  }
0x55: {  	v0 =	vor.u32 v19, v25;
	v1 =	vor.u32 v28, v1;
	[tilespmem:$0x250] =	vst v5;
	v2 =	vor.u32 v32, v2  }
0x56: {  	v40 =	vld [tilespmem:$0xA0];
	v35 =	vshll.u32 v33, $0x1;
	[tilespmem:$0x260] =	vst v6;
	v4 =	vand.u32 $0x7F, v33;
	v5 =	vand.u32 $0x7F, v36  }
0x57: {  	v44 =	vld [tilespmem:$0xB0];
	[tilespmem:$0x270] =	vst v7;
	v7 =	vand.u32 $0x7F, v39;
	v42 =	vnsel vm4, $0xF41FF, v34;
	v6 =	vnsel vm5, $0xF41FF, v37  }
0x58: {  	[tilespmem:$0x230] =	vst v3;
	v9 =	vor.u32 v9, v10;
	v10 =	vand.u32 $0x7F, v55;
	v3 =	vand.u32 $0xFFFFFF00, v35  }
0x59: {  	v43 =	vshll.u32 v42, $0x1;
	v45 =	vshll.u32 v6, $0x1;
	v6 =	vand.u32 $0x7F, v6  }
0x5a: {  	v9 =	vor.u32 $0x80, v9;
	v10 =	vor.u32 v12, v10;
	v12 =	vand.u32 $0xFFFFFF00, v56  }
0x5b: {  	v3 =	vor.u32 v4, v3;
	v4 =	vand.u32 $0xFFFFFF00, v38;
	vm6 =	vlt.s32 v40, $0xF41FF  }
0x5c: {  	v46 =	vld [tilespmem:$0xC0];
	vm7 =	vlt.s32 v44, $0xF41FF;
	v10 =	vor.u32 $0x80, v10;
	v12 =	vor.u32 v12, v13  }
0x5d: {  	v48 =	vld [tilespmem:$0xD0];
	[tilespmem:$0x280] =	vst v8;
	v13 =	vand.u32 $0xFFFFFF00, v57;
	v4 =	vor.u32 v5, v4;
	v5 =	vand.u32 $0xFFFFFF00, v41  }
0x5e: {  	[tilespmem:$0x290] =	vst v9;
	v9 =	vand.u32 $0x7F, v42;
	v8 =	vnsel vm6, $0xF41FF, v40;
	v49 =	vnsel vm7, $0xF41FF, v44  }
0x5f: {  	v12 =	vor.u32 $0x80, v12;
	v11 =	vor.u32 v13, v11;
	v13 =	vand.u32 $0x7F, v58  }
0x60: {  	v52 =	vld [tilespmem:$0xE0];
	[tilespmem:$0x320] =	vst v0;
	v5 =	vor.u32 v7, v5;
	v7 =	vand.u32 $0xFFFFFF00, v43;
	v47 =	vshll.u32 v8, $0x1  }
0x61: {  	[tilespmem:$0x330] =	vst v1;
	v8 =	vand.u32 $0x7F, v8;
	v51 =	vshll.u32 v49, $0x1;
	vm8 =	vlt.s32 v46, $0xF41FF  }
0x62: {  	[tilespmem:$0x340] =	vst v2;
	v54 =	vand.u32 $0x7F, v49;
	vm9 =	vlt.s32 v48, $0xF41FF;
	v11 =	vor.u32 $0x80, v11  }
0x63: {  	[tilespmem:$0x350] =	vst v3;
	v13 =	vor.u32 v14, v13;
	v14 =	vand.u32 $0xFFFFFF00, v59;
	v7 =	vor.u32 v7, v9  }
0x64: {  	[tilespmem:$0x2A0] =	vst v10;
	v9 =	vand.u32 $0xFFFFFF00, v45;
	v53 =	vand.u32 $0xFFFFFF00, v51;
	v55 =	vnsel vm8, $0xF41FF, v46  }
0x65: {  	[tilespmem:$0x360] =	vst v4;
	v59 =	vnsel vm9, $0xF41FF, v48;
	vm10 =	vlt.s32 v52, $0xF41FF;
	v13 =	vor.u32 $0x80, v13  }
0x66: {  	[tilespmem:$0x2B0] =	vst v12;
	v14 =	vor.u32 v14, v15;
	v15 =	vand.u32 $0xFFFFFF00, v60;
	v7 =	vor.u32 $0x80, v7  }
0x67: {  	[tilespmem:$0x370] =	vst v5;
	v6 =	vor.u32 v9, v6;
	v9 =	vand.u32 $0xFFFFFF00, v47;
	v1 =	vor.u32 v53, v54  }
0x68: {  	[tilespmem:$0x2C0] =	vst v11;
	v56 =	vshll.u32 v55, $0x1;
	v58 =	vand.u32 $0x7F, v55;
	v60 =	vshll.u32 v59, $0x1  }
0x69: {  	v57 =	vld [tilespmem:$0xF0];
	v62 =	vand.u32 $0x7F, v59;
	v14 =	vor.u32 $0x80, v14;
	v15 =	vor.u32 v15, v16;
	[tilespmem:$0x2D0] =	vst v13  }
0x6a: {  	v16 =	vand.u32 $0x7F, v61;
	v6 =	vor.u32 $0x80, v6;
	v8 =	vor.u32 v9, v8;
	[tilespmem:$0x380] =	vst v7  }
0x6b: {  	v2 =	vand.u32 $0xFFFFFF00, v56;
	v1 =	vor.u32 $0x80, v1;
	v3 =	vand.u32 $0xFFFFFF00, v60;
	[tilespmem:$0x2E0] =	vst v14  }
0x6c: {  	v61 =	vld [tilespmem:$0x100];
	v15 =	vor.u32 $0x80, v15;
	v16 =	vor.u32 v16, v20;
	v20 =	vand.u32 $0xFFFFFF00, v63;
	[tilespmem:$0x390] =	vst v6  }
0x6d: {  	v50 =	vor.u32 $0x80, v8;
	v2 =	vor.u32 v2, v58;
	v3 =	vor.u32 v3, v62;
	[tilespmem:$0x3B0] =	vst v1  }
0x6e: {  	v63 =	vnsel vm10, $0xF41FF, v52;
	vm11 =	vlt.s32 v57, $0xF41FF;
	v18 =	vor.u32 v18, v20;
	[tilespmem:$0x2F0] =	vst v15  }
0x6f: {  	[tilespmem:$0x300] =	vst v16;
	v2 =	vor.u32 $0x80, v2;
	v3 =	vor.u32 $0x80, v3;
	v9 =	vshll.u32 v63, $0x1  }
0x70: {  	[tilespmem:$0x3A0] =	vst v50;
	v5 =	vand.u32 $0x7F, v63;
	v11 =	vnsel vm11, $0xF41FF, v57;
	v10 =	vand.u32 $0xFFFFFF00, v9  }
0x71: {  	[tilespmem:$0x310] =	vst v18;
	v12 =	vshll.u32 v11, $0x1;
	v13 =	vand.u32 $0x7F, v11;
	vm12 =	vlt.s32 v61, $0xF41FF  }
0x72: {  	[tilespmem:$0x3C0] =	vst v2;
	v0 =	vor.u32 v10, v5;
	v1 =	vand.u32 $0xFFFFFF00, v12;
	v4 =	vnsel vm12, $0xF41FF, v61  }
0x73: {  	[tilespmem:$0x3D0] =	vst v3;
	v0 =	vor.u32 $0x80, v0;
	v1 =	vor.u32 v1, v13;
	v14 =	vshll.u32 v4, $0x1  }
0x74: {  	[tilespmem:$0x3E0] =	vst v0;
	v15 =	vor.u32 $0x80, v1;
	v17 =	vand.u32 $0x7F, v4;
	v16 =	vand.u32 $0xFFFFFF00, v14  }
0x75: {  	[tilespmem:$0x3F0] =	vst v15;
	v18 =	vor.u32 v17, v16  }
0x76: {  	[tilespmem:$0x400] =	vst v18  }
0x77: {  	v0 =	vld [tilespmem:$0x110]  }
0x78: {  	v19 =	vld [tilespmem:$0x120]  }
0x79: {  	v20 =	vld [tilespmem:$0x130]  }
0x7a: {  	v21 =	vld [tilespmem:$0x140]  }
0x7b: {  	v23 =	vld [tilespmem:$0x150]  }
0x7c: {  	v25 =	vld [tilespmem:$0x160]  }
0x7d: {  	v27 =	vld [tilespmem:$0x170]  }
0x7e: {  	v29 =	vld [tilespmem:$0x100]  }
0x7f: {  	v31 =	vld [tilespmem:$0x110]  }
0x80: {  	v34 =	vld [tilespmem:$0x120]  }
0x81: {  	v37 =	vld [tilespmem:$0x130]  }
0x82: {  	v39 =	vld [tilespmem:$0x140]  }
0x83: {  	v41 =	vld [tilespmem:$0x150]  }
0x84: {  	v43 =	vld [tilespmem:$0x160]  }
0x85: {  	v46 =	vld [tilespmem:$0x170]  }
0x86: {  	v47 =	vld [tilespmem:$0x180];
	vm13 =	vlt.s32 v0, $0xF41FF  }
0x87: {  	v50 =	vld [tilespmem:$0x190];
	vm14 =	vlt.s32 v19, $0xF41FF;
	vm15 =	vlt.s32 v20, $0xF41FF;
	vm4 =	vlt.s32 v21, $0xF41FF  }
0x88: {  	v52 =	vld [tilespmem:$0x1A0];
	vm5 =	vlt.s32 v23, $0xF41FF;
	vm6 =	vlt.s32 v25, $0xF41FF;
	vm7 =	vlt.s32 v27, $0xF41FF  }
0x89: {  	v55 =	vld [tilespmem:$0x1B0];
	vm8 =	vlt.s32 v29, $0xF41FF;
	vm9 =	vlt.s32 v31, $0xF41FF;
	vm10 =	vlt.s32 v34, $0xF41FF  }
0x8a: {  	v57 =	vld [tilespmem:$0x1C0];
	vm11 =	vlt.s32 v37, $0xF41FF;
	vm12 =	vlt.s32 v39, $0xF41FF;
	v0 =	vnsel vm13, $0xF41FF, v0  }
0x8b: {  	v61 =	vld [tilespmem:$0x1D0];
	v1 =	vnsel vm14, $0xF41FF, v19;
	v2 =	vnsel vm15, $0xF41FF, v20;
	v3 =	vnsel vm4, $0xF41FF, v21  }
0x8c: {  	v62 =	vld [tilespmem:$0x1E0];
	v5 =	vnsel vm5, $0xF41FF, v23;
	v6 =	vnsel vm6, $0xF41FF, v25;
	v7 =	vnsel vm7, $0xF41FF, v27  }
0x8d: {  	v8 =	vnsel vm8, $0xF41FF, v29;
	v9 =	vnsel vm9, $0xF41FF, v31;
	v40 =	vnsel vm10, $0xF41FF, v34  }
0x8e: {  	v12 =	vnsel vm11, $0xF41FF, v37;
	vm13 =	vlt.s32 v41, $0xF41FF;
	vm14 =	vlt.s32 v43, $0xF41FF  }
0x8f: {  	vm15 =	vlt.s32 v46, $0xF41FF;
	vm4 =	vlt.s32 v47, $0xF41FF;
	vm5 =	vlt.s32 v50, $0xF41FF  }
0x90: {  	vm6 =	vlt.s32 v52, $0xF41FF;
	vm7 =	vlt.s32 v55, $0xF41FF;
	vm8 =	vlt.s32 v57, $0xF41FF  }
0x91: {  	vm9 =	vlt.s32 v61, $0xF41FF;
	vm10 =	vlt.s32 v62, $0xF41FF;
	v22 =	vshll.u32 v0, $0x1  }
0x92: {  	v0 =	vand.u32 $0x7F, v0;
	v24 =	vshll.u32 v1, $0x1;
	v1 =	vand.u32 $0x7F, v1  }
0x93: {  	v26 =	vshll.u32 v2, $0x1;
	v2 =	vand.u32 $0x7F, v2;
	v28 =	vshll.u32 v3, $0x1  }
0x94: {  	v3 =	vand.u32 $0x7F, v3;
	v30 =	vshll.u32 v5, $0x1;
	v5 =	vand.u32 $0x7F, v5  }
0x95: {  	v32 =	vshll.u32 v6, $0x1;
	v6 =	vand.u32 $0x7F, v6;
	v33 =	vshll.u32 v7, $0x1  }
0x96: {  	v36 =	vshll.u32 v8, $0x1;
	v8 =	vand.u32 $0x7F, v8;
	v7 =	vand.u32 $0x7F, v7  }
0x97: {  	v38 =	vshll.u32 v9, $0x1;
	v9 =	vand.u32 $0x7F, v9;
	v11 =	vshll.u32 v40, $0x1  }
0x98: {  	v42 =	vshll.u32 v12, $0x1;
	v12 =	vand.u32 $0x7F, v12;
	v48 =	vnsel vm13, $0xF41FF, v41  }
0x99: {  	v15 =	vnsel vm14, $0xF41FF, v43;
	v16 =	vnsel vm4, $0xF41FF, v47;
	v18 =	vnsel vm5, $0xF41FF, v50  }
0x9a: {  	v17 =	vnsel vm6, $0xF41FF, v52;
	v20 =	vnsel vm7, $0xF41FF, v55;
	v4 =	vand.u32 $0xFFFFFF00, v22  }
0x9b: {  	v35 =	vand.u32 $0xFFFFFF00, v33;
	v10 =	vand.u32 $0xFFFFFF00, v36;
	v11 =	vand.u32 $0xFFFFFF00, v11  }
0x9c: {  	v14 =	vand.u32 $0xFFFFFF00, v42;
	v13 =	vshll.u32 v48, $0x1;
	v49 =	vshll.u32 v15, $0x1  }
0x9d: {  	v15 =	vand.u32 $0x7F, v15;
	v54 =	vshll.u32 v16, $0x1;
	v16 =	vand.u32 $0x7F, v16  }
0x9e: {  	v58 =	vshll.u32 v18, $0x1;
	v18 =	vand.u32 $0x7F, v18;
	v59 =	vshll.u32 v17, $0x1  }
0x9f: {  	v17 =	vand.u32 $0x7F, v17;
	v23 =	vshll.u32 v20, $0x1;
	v33 =	vnsel vm9, $0xF41FF, v61  }
0xa0: {  	v36 =	vnsel vm10, $0xF41FF, v62;
	v0 =	vor.u32 v0, v4;
	v4 =	vand.u32 $0xFFFFFF00, v24  }
0xa1: {  	v8 =	vor.u32 v10, v8;
	v44 =	vor.u32 v14, v12;
	v10 =	vnsel vm12, $0xF41FF, v39  }
0xa2: {  	v25 =	vld [tilespmem:$0x1F0];
	v13 =	vand.u32 $0xFFFFFF00, v13;
	v51 =	vand.u32 $0xFFFFFF00, v49;
	v14 =	vnsel vm15, $0xF41FF, v46  }
0xa3: {  	v34 =	vld [tilespmem:$0x180];
	v56 =	vand.u32 $0xFFFFFF00, v54;
	v60 =	vand.u32 $0xFFFFFF00, v59;
	v24 =	vnsel vm8, $0xF41FF, v57  }
0xa4: {  	v37 =	vld [tilespmem:$0x190];
	v27 =	vand.u32 $0xFFFFFF00, v23;
	v39 =	vshll.u32 v36, $0x1;
	v1 =	vor.u32 v1, v4  }
0xa5: {  	v43 =	vld [tilespmem:$0x1A0];
	v4 =	vand.u32 $0xFFFFFF00, v26;
	v45 =	vshll.u32 v10, $0x1;
	v10 =	vand.u32 $0x7F, v10  }
0xa6: {  	v52 =	vld [tilespmem:$0x1C0];
	v53 =	vshll.u32 v14, $0x1;
	v14 =	vand.u32 $0x7F, v14;
	v63 =	vor.u32 v17, v60  }
0xa7: {  	v55 =	vld [tilespmem:$0x1D0];
	v17 =	vand.u32 $0x7F, v36;
	v2 =	vor.u32 v2, v4;
	v4 =	vand.u32 $0xFFFFFF00, v28  }
0xa8: {  	v12 =	vand.u32 $0xFFFFFF00, v45;
	v28 =	vand.u32 $0x7F, v20;
	vm11 =	vlt.s32 v25, $0xF41FF  }
0xa9: {  	vm12 =	vlt.s32 v34, $0xF41FF;
	vm13 =	vlt.s32 v37, $0xF41FF;
	v3 =	vor.u32 v3, v4  }
0xaa: {  	v4 =	vand.u32 $0xFFFFFF00, v30;
	v10 =	vor.u32 v12, v10;
	v12 =	vand.u32 $0x7F, v48  }
0xab: {  	v30 =	vshll.u32 v24, $0x1;
	v45 =	vnsel vm12, $0xF41FF, v34;
	v47 =	vnsel vm13, $0xF41FF, v37  }
0xac: {  	vm14 =	vlt.s32 v43, $0xF41FF;
	vm4 =	vlt.s32 v52, $0xF41FF;
	vm5 =	vlt.s32 v55, $0xF41FF  }
0xad: {  	[tilespmem:$0x410] =	vst v0;
	v4 =	vor.u32 v5, v4;
	v5 =	vand.u32 $0xFFFFFF00, v32;
	v10 =	vor.u32 $0x80, v10  }
0xae: {  	[tilespmem:$0x420] =	vst v1;
	v12 =	vor.u32 v13, v12;
	v13 =	vor.u32 v51, v15;
	v15 =	vand.u32 $0xFFFFFF00, v53  }
0xaf: {  	[tilespmem:$0x520] =	vst v63;
	v31 =	vand.u32 $0xFFFFFF00, v30;
	v32 =	vand.u32 $0x7F, v24;
	v46 =	vshll.u32 v45, $0x1  }
0xb0: {  	[tilespmem:$0x430] =	vst v2;
	v50 =	vand.u32 $0x7F, v45;
	v51 =	vshll.u32 v47, $0x1;
	v54 =	vnsel vm14, $0xF41FF, v43  }
0xb1: {  	[tilespmem:$0x440] =	vst v3;
	v59 =	vnsel vm4, $0xF41FF, v52;
	v5 =	vor.u32 v6, v5;
	v6 =	vor.u32 v7, v35  }
0xb2: {  	v7 =	vor.u32 $0x80, v8;
	v8 =	vand.u32 $0xFFFFFF00, v38;
	v14 =	vor.u32 v15, v14;
	[tilespmem:$0x450] =	vst v4  }
0xb3: {  	v15 =	vor.u32 v16, v56;
	v16 =	vand.u32 $0xFFFFFF00, v58;
	v26 =	vor.u32 $0x80, v12;
	[tilespmem:$0x4C0] =	vst v10  }
0xb4: {  	v29 =	vor.u32 $0x80, v13;
	v12 =	vor.u32 v28, v27;
	v3 =	vor.u32 v32, v31;
	[tilespmem:$0x460] =	vst v5  }
0xb5: {  	v60 =	vld [tilespmem:$0x1E0];
	v35 =	vshll.u32 v33, $0x1;
	v38 =	vnsel vm11, $0xF41FF, v25;
	v4 =	vand.u32 $0x7F, v33;
	[tilespmem:$0x470] =	vst v6  }
0xb6: {  	v49 =	vand.u32 $0xFFFFFF00, v46;
	v53 =	vand.u32 $0xFFFFFF00, v51;
	v10 =	vand.u32 $0x7F, v47;
	[tilespmem:$0x480] =	vst v7  }
0xb7: {  	v62 =	vshll.u32 v59, $0x1;
	v8 =	vor.u32 v8, v9;
	v9 =	vand.u32 $0x7F, v40;
	[tilespmem:$0x4D0] =	vst v26  }
0xb8: {  	v16 =	vor.u32 v18, v16;
	v5 =	vand.u32 $0xFFFFFF00, v35;
	v40 =	vand.u32 $0xFFFFFF00, v39;
	[tilespmem:$0x4E0] =	vst v29  }
0xb9: {  	v42 =	vshll.u32 v38, $0x1;
	v6 =	vand.u32 $0x7F, v38;
	v1 =	vor.u32 v49, v50;
	[tilespmem:$0x500] =	vst v15  }
0xba: {  	v63 =	vld [tilespmem:$0x1F0];
	v2 =	vor.u32 v53, v10;
	[tilespmem:$0x530] =	vst v12;
	v15 =	vand.u32 $0x7F, v59;
	vm6 =	vlt.s32 v60, $0xF41FF  }
0xbb: {  	v48 =	vld [tilespmem:$0x1B0];
	[tilespmem:$0x540] =	vst v3;
	v8 =	vor.u32 $0x80, v8;
	v9 =	vor.u32 v11, v9;
	v11 =	vor.u32 $0x80, v44  }
0xbc: {  	v4 =	vor.u32 v4, v5;
	v41 =	vor.u32 v17, v40;
	v44 =	vor.u32 $0x80, v14;
	[tilespmem:$0x510] =	vst v16  }
0xbd: {  	v7 =	vand.u32 $0xFFFFFF00, v42;
	v1 =	vor.u32 $0x80, v1;
	v2 =	vor.u32 $0x80, v2;
	[tilespmem:$0x490] =	vst v8  }
0xbe: {  	v14 =	vand.u32 $0xFFFFFF00, v62;
	v16 =	vnsel vm5, $0xF41FF, v55;
	v19 =	vnsel vm6, $0xF41FF, v60;
	[tilespmem:$0x4B0] =	vst v11  }
0xbf: {  	vm7 =	vlt.s32 v63, $0xF41FF;
	v9 =	vor.u32 $0x80, v9;
	v6 =	vor.u32 v6, v7;
	[tilespmem:$0x4F0] =	vst v44  }
0xc0: {  	v8 =	vshll.u32 v54, $0x1;
	v7 =	vand.u32 $0x7F, v54;
	vm15 =	vlt.s32 v48, $0xF41FF;
	[tilespmem:$0x550] =	vst v4  }
0xc1: {  	[tilespmem:$0x560] =	vst v41;
	v4 =	vor.u32 v14, v15;
	v17 =	vshll.u32 v16, $0x1;
	v5 =	vand.u32 $0x7F, v16  }
0xc2: {  	[tilespmem:$0x590] =	vst v2;
	v21 =	vshll.u32 v19, $0x1;
	v22 =	vnsel vm7, $0xF41FF, v63;
	v2 =	vand.u32 $0x7F, v19  }
0xc3: {  	[tilespmem:$0x580] =	vst v1;
	v8 =	vand.u32 $0xFFFFFF00, v8;
	v57 =	vnsel vm15, $0xF41FF, v48;
	v4 =	vor.u32 $0x80, v4  }
0xc4: {  	[tilespmem:$0x4A0] =	vst v9;
	v18 =	vand.u32 $0xFFFFFF00, v17;
	v23 =	vshll.u32 v22, $0x1;
	v25 =	vand.u32 $0x7F, v22  }
0xc5: {  	[tilespmem:$0x570] =	vst v6;
	v56 =	vor.u32 v8, v7;
	v58 =	vshll.u32 v57, $0x1;
	v7 =	vand.u32 $0x7F, v57  }
0xc6: {  	v1 =	vor.u32 v18, v5;
	[tilespmem:$0x5C0] =	vst v4;
	v24 =	vand.u32 $0xFFFFFF00, v23;
	v0 =	vor.u32 $0x80, v56  }
0xc7: {  	v61 =	vand.u32 $0xFFFFFF00, v58;
	v20 =	vor.u32 $0x80, v1;
	v27 =	vor.u32 v24, v25;
	[tilespmem:$0x5A0] =	vst v0  }
0xc8: {  	v1 =	vand.u32 $0xFFFFFF00, v21;
	v3 =	vor.u32 v61, v7;
	[tilespmem:$0x5D0] =	vst v20;
	v28 =	vor.u32 $0x80, v27  }
0xc9: {  	v1 =	vor.u32 v1, v2;
	v3 =	vor.u32 $0x80, v3;
	[tilespmem:$0x5F0] =	vst v28  }
0xca: {  	v26 =	vor.u32 $0x80, v1;
	[tilespmem:$0x5B0] =	vst v3  }
0xcb: {  	[tilespmem:$0x5E0] =	vst v26  }
0xcc: {  	[tilespmem:s10], [sflag:$0x1] =	stream.indirect.gather [hbm4b:s3+s8], $0x1, s9, s8, $0xb8;
	[tilespmem:$0xEB0] =	vst v63  }
0xcd: {  	_ = 	snop  }
0xce: {  	[tilespmem:s12], [sflag:$0x1] =	stream.indirect.gather [hbm4b:s3+s8], $0x1, s11, s8, $0xb8;
	[tilespmem:$0xEB0] =	vst v63  }
0xcf: {  	_ = 	snop  }
0xd0: {  	[tilespmem:s14], [sflag:$0x1] =	stream.indirect.gather [hbm4b:s3+s8], $0x1, s13, s8, $0xb8;
	[tilespmem:$0xEB0] =	vst v63  }
0xd1: {  	_ = 	snop  }
0xd2: {  	[tilespmem:s16], [sflag:$0x1] =	stream.indirect.gather [hbm4b:s3+s8], $0x1, s15, s8, $0xb8;
	[tilespmem:$0xEB0] =	vst v63  }
0xd3: {  	_ = 	snop  }
0xd4: {  	[tilespmem:s18], [sflag:$0x1] =	stream.indirect.gather [hbm4b:s3+s8], $0x1, s17, s8, $0xb8;
	[tilespmem:$0xEB0] =	vst v63  }
0xd5: {  	_ = 	snop  }
0xd6: {  	[tilespmem:s20], [sflag:$0x1] =	stream.indirect.gather [hbm4b:s3+s8], $0x1, s19, s8, $0xb8;
	[tilespmem:$0xEB0] =	vst v63  }
0xd7: {  	_ = 	snop  }
0xd8: {  	[tilespmem:s22], [sflag:$0x1] =	stream.indirect.gather [hbm4b:s3+s8], $0x1, s21, s8, $0xb8;
	[tilespmem:$0xEB0] =	vst v63  }
0xd9: {  	_ = 	snop  }
0xda: {  	[tilespmem:s24], [sflag:$0x1] =	stream.indirect.gather [hbm4b:s3+s8], $0x1, s23, s8, $0xb8;
	[tilespmem:$0xEB0] =	vst v63  }
0xdb: {  	s1 =	rddreg [dreg:$0xe]  }
0xdc: {  	[tilespmem:s25], [sflag:$0x2] =	stream.linear.gather [hbm4b:s1+s2], $0x200, $0x38;
	[tilespmem:$0xEB0] =	vst v63  }
0xdd: {  	_ =	swait.ge [sflag:s7], $0x200  }
0xde: {  	[sflag:s7] =	ssyncset.done $0x0  }
0xdf: {  	[sflag:s7] =	ssyncadd.s32 $0xFFFFFE00  }
0xe0: {  	[tilespmem:s26], [sflag:$0x2] =	stream.linear.gather [hbm4b:s4+s2], $0x200, $0x38;
	[tilespmem:$0xEB0] =	vst v63  }
0xe1: {  	_ =	swait.ge [sflag:s7], $0x200  }
0xe2: {  	[sflag:s7] =	ssyncset.done $0x0  }
0xe3: {  	s1 =	rddreg [dreg:$0xc];
	[sflag:s7] =	ssyncadd.s32 $0xFFFFFE00  }
0xe4: {  	[tilespmem:s28], [sflag:$0x2] =	stream.linear.gather [hbm4b:s1+s2], $0x80, $0x38;
	[tilespmem:$0xEB0] =	vst v63  }
0xe5: {  	_ =	swait.ge [sflag:s7], $0x80  }
0xe6: {  	[sflag:s7] =	ssyncset.done $0x0  }
0xe7: {  	s1 =	rddreg [dreg:$0x9];
	[sflag:s7] =	ssyncadd.s32 $0xFFFFFF80  }
0xe8: {  	[tilespmem:s29], [sflag:$0x2] =	stream.linear.gather [hbm4b:s1+s2], $0x2, $0x38;
	[tilespmem:$0xEB0] =	vst v63  }
0xe9: {  	_ =	swait.ge [sflag:s7], $0x2  }
0xea: {  	[sflag:s7] =	ssyncset.done $0x0  }
0xeb: {  	s1 =	rddreg [dreg:$0xa];
	[sflag:s7] =	ssyncadd.s32 $0xFFFFFFFE  }
0xec: {  	[tilespmem:s30], [sflag:$0x2] =	stream.linear.gather [hbm4b:s1+s2], $0x2, $0x38;
	[tilespmem:$0xEB0] =	vst v63  }
0xed: {  	_ =	swait.ge [sflag:s7], $0x2  }
0xee: {  	[sflag:s7] =	ssyncset.done $0x0  }
0xef: {  	s1 =	rddreg [dreg:$0xb];
	[sflag:s7] =	ssyncadd.s32 $0xFFFFFFFE  }
0xf0: {  	[tilespmem:s31], [sflag:$0x2] =	stream.linear.gather [hbm4b:s1+s2], $0x2, $0x38;
	[tilespmem:$0xEB0] =	vst v63  }
0xf1: {  	_ =	swait.ge [sflag:s7], $0x2  }
0xf2: {  	[sflag:s7] =	ssyncset.done $0x0  }
0xf3: {  	[sflag:s7] =	ssyncadd.s32 $0xFFFFFFFE  }
0xf4: {  	_ =	swait.ge [sflag:s0], $0x80  }
0xf5: {  	[sflag:s0] =	ssyncset.done $0x0  }
0xf6: {  	[sflag:s0] =	ssyncadd.s32 $0xFFFFFF80  }
0xf7: {  	_ =	swait.ge [sflag:s0], $0x80  }
0xf8: {  	[sflag:s0] =	ssyncset.done $0x0  }
0xf9: {  	[sflag:s0] =	ssyncadd.s32 $0xFFFFFF80  }
0xfa: {  	_ =	swait.ge [sflag:s0], $0x80  }
0xfb: {  	[sflag:s0] =	ssyncset.done $0x0  }
0xfc: {  	[sflag:s0] =	ssyncadd.s32 $0xFFFFFF80  }
0xfd: {  	_ =	swait.ge [sflag:s0], $0x80  }
0xfe: {  	[sflag:s0] =	ssyncset.done $0x0  }
0xff: {  	[sflag:s0] =	ssyncadd.s32 $0xFFFFFF80  }
0x100: {  	_ =	swait.ge [sflag:s0], $0x80  }
0x101: {  	[sflag:s0] =	ssyncset.done $0x0  }
0x102: {  	[sflag:s0] =	ssyncadd.s32 $0xFFFFFF80  }
0x103: {  	_ =	swait.ge [sflag:s0], $0x80  }
0x104: {  	[sflag:s0] =	ssyncset.done $0x0  }
0x105: {  	[sflag:s0] =	ssyncadd.s32 $0xFFFFFF80  }
0x106: {  	_ =	swait.ge [sflag:s0], $0x80  }
0x107: {  	[sflag:s0] =	ssyncset.done $0x0  }
0x108: {  	[sflag:s0] =	ssyncadd.s32 $0xFFFFFF80  }
0x109: {  	_ =	swait.ge [sflag:s0], $0x80  }
0x10a: {  	[sflag:s0] =	ssyncset.done $0x0  }
0x10b: {  	[sflag:s0] =	ssyncadd.s32 $0xFFFFFF80  }
0x10c: {  	v29 =	vld [tilespmem:$0x0];
	_ =	sdelay $0x4  }
0x10d: {  	v30 =	vadd.s32 $0xFFF0BE00, v29  }
0x10e: {  	vm8 =	vgt.s32 v30, $0x0  }
0x10f: {  	v1 =	vnsel vm8, $0x0, v30  }
0x110: {  	v31 =	vld [tilespmem:$0xE80];
	v1 =	vshll.u32 v1, $0x1  }
0x111: {  	v32 =	vld [tilespmem:$0xE90]  }
0x112: {  	v33 =	vld [tilespmem:$0xEA0]  }
0x113: {  	v34 =	vld [tilespmem:$0x600]  }
0x114: {  	v36 =	vld [tilespmem:$0x10]  }
0x115: {  	v35 =	vld.idx.msk [tilespmem:v1+s28+$0x0], $0xffff  }
0x116: {  	v37 =	vld [tilespmem:$0xA00]  }
0x117: {  	v2 =	vadd.f32 $0.0e+00, v32;
	v1 =	vadd.f32 $0.0e+00, v31  }
0x118: {  	v38 =	vld [tilespmem:$0xC00];
	v5 =	vadd.f32 $0.0e+00, v33;
	vm9 =	vgt.s32 v29, $0xF41FF  }
0x119: {  	v39 =	vadd.s32 $0xFFF0BE00, v36;
	v4 =	vbroadcast v2, $0x0;
	v3 =	vbroadcast v1, $0x0  }
0x11a: {  	vm10 =	vgt.s32 v39, $0x0;
	v6 =	vsel vm9, v35, v34  }
0x11b: {  	v0 =	vbroadcast v5, $0x0;
	v9 =	vmul.f32 v37, v4;
	v6 =	vadd.f32 v6, v3  }
0x11c: {  	v7 =	vnsel vm10, $0x0, v39  }
0x11d: {  	v7 =	vshll.u32 v7, $0x1;
	v40 =	vmul.f32 v38, v0;
	v6 =	vadd.f32 v6, v9;
	_ =	sdelay $0x1  }
0x11e: {  	v6 =	vadd.f32 v6, v40  }
0x11f: {  	v41 =	vld [tilespmem:$0x610]  }
0x120: {  	v42 =	vld [tilespmem:$0x20];
	[tilespmem:$0x600] =	vst v6  }
0x121: {  	v7 =	vld.idx.msk [tilespmem:v7+s28+$0x0], $0xffff  }
0x122: {  	v43 =	vld [tilespmem:$0xA10];
	_ =	sdelay $0x1  }
0x123: {  	v44 =	vld [tilespmem:$0xC10]  }
0x124: {  	vm11 =	vgt.s32 v36, $0xF41FF  }
0x125: {  	v45 =	vadd.s32 $0xFFF0BE00, v42;
	v6 =	vsel vm11, v7, v41  }
0x126: {  	vm12 =	vgt.s32 v45, $0x0;
	v46 =	vmul.f32 v43, v4;
	v6 =	vadd.f32 v6, v3  }
0x127: {  	v7 =	vnsel vm12, $0x0, v45  }
0x128: {  	v47 =	vmul.f32 v44, v0;
	v7 =	vshll.u32 v7, $0x1;
	v6 =	vadd.f32 v6, v46;
	_ =	sdelay $0x1  }
0x129: {  	v6 =	vadd.f32 v6, v47  }
0x12a: {  	v48 =	vld [tilespmem:$0x620]  }
0x12b: {  	v49 =	vld [tilespmem:$0x30];
	[tilespmem:$0x610] =	vst v6  }
0x12c: {  	v7 =	vld.idx.msk [tilespmem:v7+s28+$0x0], $0xffff  }
0x12d: {  	v50 =	vld [tilespmem:$0xA20];
	_ =	sdelay $0x1  }
0x12e: {  	v51 =	vld [tilespmem:$0xC20]  }
0x12f: {  	vm13 =	vgt.s32 v42, $0xF41FF  }
0x130: {  	v52 =	vadd.s32 $0xFFF0BE00, v49;
	v6 =	vsel vm13, v7, v48  }
0x131: {  	vm14 =	vgt.s32 v52, $0x0;
	v53 =	vmul.f32 v50, v4;
	v6 =	vadd.f32 v6, v3  }
0x132: {  	v7 =	vnsel vm14, $0x0, v52  }
0x133: {  	v54 =	vmul.f32 v51, v0;
	v7 =	vshll.u32 v7, $0x1;
	v6 =	vadd.f32 v6, v53;
	_ =	sdelay $0x1  }
0x134: {  	v6 =	vadd.f32 v6, v54  }
0x135: {  	v55 =	vld [tilespmem:$0x630]  }
0x136: {  	v56 =	vld [tilespmem:$0x40];
	[tilespmem:$0x620] =	vst v6  }
0x137: {  	v7 =	vld.idx.msk [tilespmem:v7+s28+$0x0], $0xffff  }
0x138: {  	v57 =	vld [tilespmem:$0xA30];
	_ =	sdelay $0x1  }
0x139: {  	v58 =	vld [tilespmem:$0xC30]  }
0x13a: {  	vm15 =	vgt.s32 v49, $0xF41FF  }
0x13b: {  	v59 =	vadd.s32 $0xFFF0BE00, v56;
	v6 =	vsel vm15, v7, v55  }
0x13c: {  	vm4 =	vgt.s32 v59, $0x0;
	v60 =	vmul.f32 v57, v4;
	v6 =	vadd.f32 v6, v3  }
0x13d: {  	v7 =	vnsel vm4, $0x0, v59  }
0x13e: {  	v61 =	vmul.f32 v58, v0;
	v7 =	vshll.u32 v7, $0x1;
	v6 =	vadd.f32 v6, v60;
	_ =	sdelay $0x1  }
0x13f: {  	v6 =	vadd.f32 v6, v61  }
0x140: {  	v62 =	vld [tilespmem:$0x640]  }
0x141: {  	v63 =	vld [tilespmem:$0x50];
	[tilespmem:$0x630] =	vst v6  }
0x142: {  	v7 =	vld.idx.msk [tilespmem:v7+s28+$0x0], $0xffff  }
0x143: {  	v12 =	vld [tilespmem:$0xA40];
	_ =	sdelay $0x1  }
0x144: {  	v13 =	vld [tilespmem:$0xC40]  }
0x145: {  	vm5 =	vgt.s32 v56, $0xF41FF  }
0x146: {  	v14 =	vadd.s32 $0xFFF0BE00, v63;
	v6 =	vsel vm5, v7, v62  }
0x147: {  	vm6 =	vgt.s32 v14, $0x0;
	v15 =	vmul.f32 v12, v4;
	v6 =	vadd.f32 v6, v3  }
0x148: {  	v7 =	vnsel vm6, $0x0, v14  }
0x149: {  	v16 =	vmul.f32 v13, v0;
	v7 =	vshll.u32 v7, $0x1;
	v6 =	vadd.f32 v6, v15;
	_ =	sdelay $0x1  }
0x14a: {  	v6 =	vadd.f32 v6, v16  }
0x14b: {  	v17 =	vld [tilespmem:$0x650]  }
0x14c: {  	v18 =	vld [tilespmem:$0x60];
	[tilespmem:$0x640] =	vst v6  }
0x14d: {  	v7 =	vld.idx.msk [tilespmem:v7+s28+$0x0], $0xffff  }
0x14e: {  	v19 =	vld [tilespmem:$0xA50];
	_ =	sdelay $0x1  }
0x14f: {  	v20 =	vld [tilespmem:$0xC50]  }
0x150: {  	vm7 =	vgt.s32 v63, $0xF41FF  }
0x151: {  	v21 =	vadd.s32 $0xFFF0BE00, v18;
	v6 =	vsel vm7, v7, v17  }
0x152: {  	vm8 =	vgt.s32 v21, $0x0;
	v22 =	vmul.f32 v19, v4;
	v6 =	vadd.f32 v6, v3  }
0x153: {  	v7 =	vnsel vm8, $0x0, v21  }
0x154: {  	v23 =	vmul.f32 v20, v0;
	v7 =	vshll.u32 v7, $0x1;
	v6 =	vadd.f32 v6, v22;
	_ =	sdelay $0x1  }
0x155: {  	v6 =	vadd.f32 v6, v23  }
0x156: {  	v24 =	vld [tilespmem:$0x660]  }
0x157: {  	v25 =	vld [tilespmem:$0x70];
	[tilespmem:$0x650] =	vst v6  }
0x158: {  	v7 =	vld.idx.msk [tilespmem:v7+s28+$0x0], $0xffff  }
0x159: {  	v26 =	vld [tilespmem:$0xA60];
	_ =	sdelay $0x1  }
0x15a: {  	v27 =	vld [tilespmem:$0xC60]  }
0x15b: {  	vm9 =	vgt.s32 v18, $0xF41FF  }
0x15c: {  	v28 =	vadd.s32 $0xFFF0BE00, v25;
	v6 =	vsel vm9, v7, v24  }
0x15d: {  	vm10 =	vgt.s32 v28, $0x0;
	v29 =	vmul.f32 v26, v4;
	v6 =	vadd.f32 v6, v3  }
0x15e: {  	v7 =	vnsel vm10, $0x0, v28  }
0x15f: {  	v30 =	vmul.f32 v27, v0;
	v7 =	vshll.u32 v7, $0x1;
	v6 =	vadd.f32 v6, v29;
	_ =	sdelay $0x1  }
0x160: {  	v6 =	vadd.f32 v6, v30  }
0x161: {  	v32 =	vld [tilespmem:$0x0]  }
0x162: {  	v31 =	vld [tilespmem:$0x670];
	[tilespmem:$0x660] =	vst v6  }
0x163: {  	v7 =	vld.idx.msk [tilespmem:v7+s28+$0x0], $0xffff  }
0x164: {  	v33 =	vld [tilespmem:$0xA70];
	_ =	sdelay $0x1  }
0x165: {  	v34 =	vld [tilespmem:$0xC70]  }
0x166: {  	v35 =	vadd.s32 $0xFFF0BE00, v32;
	vm11 =	vgt.s32 v25, $0xF41FF  }
0x167: {  	vm12 =	vgt.s32 v35, $0x0;
	v7 =	vsel vm11, v7, v31  }
0x168: {  	v36 =	vmul.f32 v33, v4;
	v8 =	vnsel vm12, $0x0, v35;
	v7 =	vadd.f32 v7, v3  }
0x169: {  	v8 =	vshll.u32 v8, $0x1  }
0x16a: {  	v37 =	vmul.f32 v34, v0;
	v8 =	vor.u32 $0x1, v8;
	v7 =	vadd.f32 v7, v36;
	_ =	sdelay $0x1  }
0x16b: {  	v7 =	vadd.f32 v7, v37  }
0x16c: {  	v39 =	vld [tilespmem:$0x10]  }
0x16d: {  	v38 =	vld [tilespmem:$0x680];
	[tilespmem:$0x670] =	vst v7  }
0x16e: {  	v8 =	vld.idx.msk [tilespmem:v8+s28+$0x0], $0xffff  }
0x16f: {  	v40 =	vld [tilespmem:$0xA00];
	_ =	sdelay $0x1  }
0x170: {  	v2 =	vbroadcast v2, $0x1;
	v41 =	vld [tilespmem:$0xC00]  }
0x171: {  	v42 =	vadd.s32 $0xFFF0BE00, v39;
	v1 =	vbroadcast v1, $0x1;
	vm13 =	vgt.s32 v32, $0xF41FF  }
0x172: {  	v5 =	vbroadcast v5, $0x1;
	vm14 =	vgt.s32 v42, $0x0;
	v8 =	vsel vm13, v8, v38  }
0x173: {  	v43 =	vmul.f32 v40, v2;
	v6 =	vnsel vm14, $0x0, v42;
	v8 =	vadd.f32 v8, v1  }
0x174: {  	v6 =	vshll.u32 v6, $0x1  }
0x175: {  	v44 =	vmul.f32 v41, v5;
	v6 =	vor.u32 $0x1, v6;
	v8 =	vadd.f32 v8, v43;
	_ =	sdelay $0x1  }
0x176: {  	v8 =	vadd.f32 v8, v44  }
0x177: {  	v45 =	vld [tilespmem:$0x690]  }
0x178: {  	v46 =	vld [tilespmem:$0x20];
	[tilespmem:$0x680] =	vst v8  }
0x179: {  	v6 =	vld.idx.msk [tilespmem:v6+s28+$0x0], $0xffff  }
0x17a: {  	v47 =	vld [tilespmem:$0xA10];
	_ =	sdelay $0x1  }
0x17b: {  	v48 =	vld [tilespmem:$0xC10]  }
0x17c: {  	v49 =	vadd.s32 $0xFFF0BE00, v46;
	vm15 =	vgt.s32 v39, $0xF41FF  }
0x17d: {  	vm4 =	vgt.s32 v49, $0x0;
	v6 =	vsel vm15, v6, v45  }
0x17e: {  	v50 =	vmul.f32 v47, v2;
	v7 =	vnsel vm4, $0x0, v49;
	v6 =	vadd.f32 v6, v1  }
0x17f: {  	v7 =	vshll.u32 v7, $0x1  }
0x180: {  	v51 =	vmul.f32 v48, v5;
	v7 =	vor.u32 $0x1, v7;
	v6 =	vadd.f32 v6, v50;
	_ =	sdelay $0x1  }
0x181: {  	v6 =	vadd.f32 v6, v51  }
0x182: {  	v52 =	vld [tilespmem:$0x6A0]  }
0x183: {  	v53 =	vld [tilespmem:$0x30];
	[tilespmem:$0x690] =	vst v6  }
0x184: {  	v7 =	vld.idx.msk [tilespmem:v7+s28+$0x0], $0xffff  }
0x185: {  	v54 =	vld [tilespmem:$0xA20];
	_ =	sdelay $0x1  }
0x186: {  	v55 =	vld [tilespmem:$0xC20]  }
0x187: {  	v56 =	vadd.s32 $0xFFF0BE00, v53;
	vm5 =	vgt.s32 v46, $0xF41FF  }
0x188: {  	vm6 =	vgt.s32 v56, $0x0;
	v7 =	vsel vm5, v7, v52  }
0x189: {  	v57 =	vmul.f32 v54, v2;
	v8 =	vnsel vm6, $0x0, v56;
	v7 =	vadd.f32 v7, v1  }
0x18a: {  	v8 =	vshll.u32 v8, $0x1  }
0x18b: {  	v58 =	vmul.f32 v55, v5;
	v8 =	vor.u32 $0x1, v8;
	v7 =	vadd.f32 v7, v57;
	_ =	sdelay $0x1  }
0x18c: {  	v7 =	vadd.f32 v7, v58  }
0x18d: {  	v59 =	vld [tilespmem:$0x6B0]  }
0x18e: {  	v60 =	vld [tilespmem:$0x40];
	[tilespmem:$0x6A0] =	vst v7  }
0x18f: {  	v8 =	vld.idx.msk [tilespmem:v8+s28+$0x0], $0xffff  }
0x190: {  	v61 =	vld [tilespmem:$0xA30];
	_ =	sdelay $0x1  }
0x191: {  	v62 =	vld [tilespmem:$0xC30]  }
0x192: {  	v63 =	vadd.s32 $0xFFF0BE00, v60;
	vm7 =	vgt.s32 v53, $0xF41FF  }
0x193: {  	vm8 =	vgt.s32 v63, $0x0;
	v8 =	vsel vm7, v8, v59  }
0x194: {  	v12 =	vmul.f32 v61, v2;
	v6 =	vnsel vm8, $0x0, v63;
	v8 =	vadd.f32 v8, v1  }
0x195: {  	v6 =	vshll.u32 v6, $0x1  }
0x196: {  	v13 =	vmul.f32 v62, v5;
	v6 =	vor.u32 $0x1, v6;
	v8 =	vadd.f32 v8, v12;
	_ =	sdelay $0x1  }
0x197: {  	v8 =	vadd.f32 v8, v13  }
0x198: {  	v14 =	vld [tilespmem:$0x6C0]  }
0x199: {  	v15 =	vld [tilespmem:$0x50];
	[tilespmem:$0x6B0] =	vst v8  }
0x19a: {  	v6 =	vld.idx.msk [tilespmem:v6+s28+$0x0], $0xffff  }
0x19b: {  	v16 =	vld [tilespmem:$0xA40];
	_ =	sdelay $0x1  }
0x19c: {  	v17 =	vld [tilespmem:$0xC40]  }
0x19d: {  	v18 =	vadd.s32 $0xFFF0BE00, v15;
	vm9 =	vgt.s32 v60, $0xF41FF  }
0x19e: {  	vm10 =	vgt.s32 v18, $0x0;
	v6 =	vsel vm9, v6, v14  }
0x19f: {  	v19 =	vmul.f32 v16, v2;
	v7 =	vnsel vm10, $0x0, v18;
	v6 =	vadd.f32 v6, v1  }
0x1a0: {  	v7 =	vshll.u32 v7, $0x1  }
0x1a1: {  	v20 =	vmul.f32 v17, v5;
	v7 =	vor.u32 $0x1, v7;
	v6 =	vadd.f32 v6, v19;
	_ =	sdelay $0x1  }
0x1a2: {  	v6 =	vadd.f32 v6, v20  }
0x1a3: {  	v21 =	vld [tilespmem:$0x6D0]  }
0x1a4: {  	v22 =	vld [tilespmem:$0x60];
	[tilespmem:$0x6C0] =	vst v6  }
0x1a5: {  	v7 =	vld.idx.msk [tilespmem:v7+s28+$0x0], $0xffff  }
0x1a6: {  	v23 =	vld [tilespmem:$0xA50];
	_ =	sdelay $0x1  }
0x1a7: {  	v24 =	vld [tilespmem:$0xC50]  }
0x1a8: {  	v25 =	vadd.s32 $0xFFF0BE00, v22;
	vm11 =	vgt.s32 v15, $0xF41FF  }
0x1a9: {  	vm12 =	vgt.s32 v25, $0x0;
	v7 =	vsel vm11, v7, v21  }
0x1aa: {  	v26 =	vmul.f32 v23, v2;
	v8 =	vnsel vm12, $0x0, v25;
	v7 =	vadd.f32 v7, v1  }
0x1ab: {  	v8 =	vshll.u32 v8, $0x1  }
0x1ac: {  	v27 =	vmul.f32 v24, v5;
	v8 =	vor.u32 $0x1, v8;
	v7 =	vadd.f32 v7, v26;
	_ =	sdelay $0x1  }
0x1ad: {  	v7 =	vadd.f32 v7, v27  }
0x1ae: {  	v28 =	vld [tilespmem:$0x6E0]  }
0x1af: {  	v29 =	vld [tilespmem:$0x70];
	[tilespmem:$0x6D0] =	vst v7  }
0x1b0: {  	v8 =	vld.idx.msk [tilespmem:v8+s28+$0x0], $0xffff  }
0x1b1: {  	v30 =	vld [tilespmem:$0xA60];
	_ =	sdelay $0x1  }
0x1b2: {  	v31 =	vld [tilespmem:$0xC60]  }
0x1b3: {  	v32 =	vadd.s32 $0xFFF0BE00, v29;
	vm13 =	vgt.s32 v22, $0xF41FF  }
0x1b4: {  	vm14 =	vgt.s32 v32, $0x0;
	v8 =	vsel vm13, v8, v28  }
0x1b5: {  	v33 =	vmul.f32 v30, v2;
	v6 =	vnsel vm14, $0x0, v32;
	v8 =	vadd.f32 v8, v1  }
0x1b6: {  	v6 =	vshll.u32 v6, $0x1  }
0x1b7: {  	v34 =	vmul.f32 v31, v5;
	v6 =	vor.u32 $0x1, v6;
	v8 =	vadd.f32 v8, v33;
	_ =	sdelay $0x1  }
0x1b8: {  	v8 =	vadd.f32 v8, v34  }
0x1b9: {  	v35 =	vld [tilespmem:$0x6F0]  }
0x1ba: {  	v36 =	vld [tilespmem:$0x80];
	[tilespmem:$0x6E0] =	vst v8  }
0x1bb: {  	v6 =	vld.idx.msk [tilespmem:v6+s28+$0x0], $0xffff  }
0x1bc: {  	v37 =	vld [tilespmem:$0xA70];
	_ =	sdelay $0x1  }
0x1bd: {  	v38 =	vld [tilespmem:$0xC70]  }
0x1be: {  	vm15 =	vgt.s32 v29, $0xF41FF  }
0x1bf: {  	v39 =	vadd.s32 $0xFFF0BE00, v36;
	v6 =	vsel vm15, v6, v35  }
0x1c0: {  	vm4 =	vgt.s32 v39, $0x0;
	v40 =	vmul.f32 v37, v2;
	v6 =	vadd.f32 v6, v1  }
0x1c1: {  	v7 =	vnsel vm4, $0x0, v39  }
0x1c2: {  	v41 =	vmul.f32 v38, v5;
	v7 =	vshll.u32 v7, $0x1;
	v6 =	vadd.f32 v6, v40;
	_ =	sdelay $0x1  }
0x1c3: {  	v6 =	vadd.f32 v6, v41  }
0x1c4: {  	v42 =	vld [tilespmem:$0x700]  }
0x1c5: {  	v43 =	vld [tilespmem:$0x90];
	[tilespmem:$0x6F0] =	vst v6  }
0x1c6: {  	v7 =	vld.idx.msk [tilespmem:v7+s28+$0x0], $0xffff  }
0x1c7: {  	v44 =	vld [tilespmem:$0xA80];
	_ =	sdelay $0x1  }
0x1c8: {  	v45 =	vld [tilespmem:$0xC80]  }
0x1c9: {  	vm5 =	vgt.s32 v36, $0xF41FF  }
0x1ca: {  	v46 =	vadd.s32 $0xFFF0BE00, v43;
	v6 =	vsel vm5, v7, v42  }
0x1cb: {  	vm6 =	vgt.s32 v46, $0x0;
	v47 =	vmul.f32 v44, v4;
	v6 =	vadd.f32 v6, v3  }
0x1cc: {  	v7 =	vnsel vm6, $0x0, v46  }
0x1cd: {  	v48 =	vmul.f32 v45, v0;
	v7 =	vshll.u32 v7, $0x1;
	v6 =	vadd.f32 v6, v47;
	_ =	sdelay $0x1  }
0x1ce: {  	v6 =	vadd.f32 v6, v48  }
0x1cf: {  	v49 =	vld [tilespmem:$0x710]  }
0x1d0: {  	v50 =	vld [tilespmem:$0xA0];
	[tilespmem:$0x700] =	vst v6  }
0x1d1: {  	v7 =	vld.idx.msk [tilespmem:v7+s28+$0x0], $0xffff  }
0x1d2: {  	v51 =	vld [tilespmem:$0xA90];
	_ =	sdelay $0x1  }
0x1d3: {  	v52 =	vld [tilespmem:$0xC90]  }
0x1d4: {  	vm7 =	vgt.s32 v43, $0xF41FF  }
0x1d5: {  	v53 =	vadd.s32 $0xFFF0BE00, v50;
	v6 =	vsel vm7, v7, v49  }
0x1d6: {  	vm8 =	vgt.s32 v53, $0x0;
	v54 =	vmul.f32 v51, v4;
	v6 =	vadd.f32 v6, v3  }
0x1d7: {  	v7 =	vnsel vm8, $0x0, v53  }
0x1d8: {  	v55 =	vmul.f32 v52, v0;
	v7 =	vshll.u32 v7, $0x1;
	v6 =	vadd.f32 v6, v54;
	_ =	sdelay $0x1  }
0x1d9: {  	v6 =	vadd.f32 v6, v55  }
0x1da: {  	v56 =	vld [tilespmem:$0x720]  }
0x1db: {  	v57 =	vld [tilespmem:$0xB0];
	[tilespmem:$0x710] =	vst v6  }
0x1dc: {  	v7 =	vld.idx.msk [tilespmem:v7+s28+$0x0], $0xffff  }
0x1dd: {  	v58 =	vld [tilespmem:$0xAA0];
	_ =	sdelay $0x1  }
0x1de: {  	v59 =	vld [tilespmem:$0xCA0]  }
0x1df: {  	vm9 =	vgt.s32 v50, $0xF41FF  }
0x1e0: {  	v60 =	vadd.s32 $0xFFF0BE00, v57;
	v6 =	vsel vm9, v7, v56  }
0x1e1: {  	vm10 =	vgt.s32 v60, $0x0;
	v61 =	vmul.f32 v58, v4;
	v6 =	vadd.f32 v6, v3  }
0x1e2: {  	v7 =	vnsel vm10, $0x0, v60  }
0x1e3: {  	v62 =	vmul.f32 v59, v0;
	v7 =	vshll.u32 v7, $0x1;
	v6 =	vadd.f32 v6, v61;
	_ =	sdelay $0x1  }
0x1e4: {  	v6 =	vadd.f32 v6, v62  }
0x1e5: {  	v63 =	vld [tilespmem:$0x730]  }
0x1e6: {  	v12 =	vld [tilespmem:$0xC0];
	[tilespmem:$0x720] =	vst v6  }
0x1e7: {  	v7 =	vld.idx.msk [tilespmem:v7+s28+$0x0], $0xffff  }
0x1e8: {  	v13 =	vld [tilespmem:$0xAB0];
	_ =	sdelay $0x1  }
0x1e9: {  	v14 =	vld [tilespmem:$0xCB0]  }
0x1ea: {  	vm11 =	vgt.s32 v57, $0xF41FF  }
0x1eb: {  	v15 =	vadd.s32 $0xFFF0BE00, v12;
	v6 =	vsel vm11, v7, v63  }
0x1ec: {  	vm12 =	vgt.s32 v15, $0x0;
	v16 =	vmul.f32 v13, v4;
	v6 =	vadd.f32 v6, v3  }
0x1ed: {  	v7 =	vnsel vm12, $0x0, v15  }
0x1ee: {  	v17 =	vmul.f32 v14, v0;
	v7 =	vshll.u32 v7, $0x1;
	v6 =	vadd.f32 v6, v16;
	_ =	sdelay $0x1  }
0x1ef: {  	v6 =	vadd.f32 v6, v17  }
0x1f0: {  	v18 =	vld [tilespmem:$0x740]  }
0x1f1: {  	v19 =	vld [tilespmem:$0xD0];
	[tilespmem:$0x730] =	vst v6  }
0x1f2: {  	v7 =	vld.idx.msk [tilespmem:v7+s28+$0x0], $0xffff  }
0x1f3: {  	v20 =	vld [tilespmem:$0xAC0];
	_ =	sdelay $0x1  }
0x1f4: {  	v21 =	vld [tilespmem:$0xCC0]  }
0x1f5: {  	vm13 =	vgt.s32 v12, $0xF41FF  }
0x1f6: {  	v22 =	vadd.s32 $0xFFF0BE00, v19;
	v6 =	vsel vm13, v7, v18  }
0x1f7: {  	vm14 =	vgt.s32 v22, $0x0;
	v23 =	vmul.f32 v20, v4;
	v6 =	vadd.f32 v6, v3  }
0x1f8: {  	v7 =	vnsel vm14, $0x0, v22  }
0x1f9: {  	v24 =	vmul.f32 v21, v0;
	v7 =	vshll.u32 v7, $0x1;
	v6 =	vadd.f32 v6, v23;
	_ =	sdelay $0x1  }
0x1fa: {  	v6 =	vadd.f32 v6, v24  }
0x1fb: {  	v25 =	vld [tilespmem:$0x750]  }
0x1fc: {  	v26 =	vld [tilespmem:$0xE0];
	[tilespmem:$0x740] =	vst v6  }
0x1fd: {  	v7 =	vld.idx.msk [tilespmem:v7+s28+$0x0], $0xffff  }
0x1fe: {  	v27 =	vld [tilespmem:$0xAD0];
	_ =	sdelay $0x1  }
0x1ff: {  	v28 =	vld [tilespmem:$0xCD0]  }
0x200: {  	vm15 =	vgt.s32 v19, $0xF41FF  }
0x201: {  	v29 =	vadd.s32 $0xFFF0BE00, v26;
	v6 =	vsel vm15, v7, v25  }
0x202: {  	vm4 =	vgt.s32 v29, $0x0;
	v30 =	vmul.f32 v27, v4;
	v6 =	vadd.f32 v6, v3  }
0x203: {  	v7 =	vnsel vm4, $0x0, v29  }
0x204: {  	v31 =	vmul.f32 v28, v0;
	v7 =	vshll.u32 v7, $0x1;
	v6 =	vadd.f32 v6, v30;
	_ =	sdelay $0x1  }
0x205: {  	v6 =	vadd.f32 v6, v31  }
0x206: {  	v32 =	vld [tilespmem:$0x760]  }
0x207: {  	v33 =	vld [tilespmem:$0xF0];
	[tilespmem:$0x750] =	vst v6  }
0x208: {  	v7 =	vld.idx.msk [tilespmem:v7+s28+$0x0], $0xffff  }
0x209: {  	v34 =	vld [tilespmem:$0xAE0];
	_ =	sdelay $0x1  }
0x20a: {  	v35 =	vld [tilespmem:$0xCE0]  }
0x20b: {  	vm5 =	vgt.s32 v26, $0xF41FF  }
0x20c: {  	v36 =	vadd.s32 $0xFFF0BE00, v33;
	v6 =	vsel vm5, v7, v32  }
0x20d: {  	v37 =	vmul.f32 v34, v4;
	vm6 =	vgt.s32 v36, $0x0;
	v6 =	vadd.f32 v6, v3  }
0x20e: {  	v7 =	vnsel vm6, $0x0, v36  }
0x20f: {  	v38 =	vmul.f32 v35, v0;
	v7 =	vshll.u32 v7, $0x1;
	v6 =	vadd.f32 v6, v37;
	_ =	sdelay $0x1  }
0x210: {  	v6 =	vadd.f32 v6, v38  }
0x211: {  	v39 =	vld [tilespmem:$0x770]  }
0x212: {  	v40 =	vld [tilespmem:$0x80];
	[tilespmem:$0x760] =	vst v6  }
0x213: {  	v7 =	vld.idx.msk [tilespmem:v7+s28+$0x0], $0xffff  }
0x214: {  	v41 =	vld [tilespmem:$0xAF0];
	_ =	sdelay $0x1  }
0x215: {  	v42 =	vld [tilespmem:$0xCF0]  }
0x216: {  	v43 =	vadd.s32 $0xFFF0BE00, v40;
	vm7 =	vgt.s32 v33, $0xF41FF  }
0x217: {  	vm8 =	vgt.s32 v43, $0x0;
	v7 =	vsel vm7, v7, v39  }
0x218: {  	v44 =	vmul.f32 v41, v4;
	v8 =	vnsel vm8, $0x0, v43;
	v7 =	vadd.f32 v7, v3  }
0x219: {  	v8 =	vshll.u32 v8, $0x1  }
0x21a: {  	v45 =	vmul.f32 v42, v0;
	v8 =	vor.u32 $0x1, v8;
	v7 =	vadd.f32 v7, v44;
	_ =	sdelay $0x1  }
0x21b: {  	v7 =	vadd.f32 v7, v45  }
0x21c: {  	v46 =	vld [tilespmem:$0x780]  }
0x21d: {  	v47 =	vld [tilespmem:$0x90];
	[tilespmem:$0x770] =	vst v7  }
0x21e: {  	v8 =	vld.idx.msk [tilespmem:v8+s28+$0x0], $0xffff  }
0x21f: {  	v48 =	vld [tilespmem:$0xA80];
	_ =	sdelay $0x1  }
0x220: {  	v49 =	vld [tilespmem:$0xC80]  }
0x221: {  	v50 =	vadd.s32 $0xFFF0BE00, v47;
	vm9 =	vgt.s32 v40, $0xF41FF  }
0x222: {  	vm10 =	vgt.s32 v50, $0x0;
	v8 =	vsel vm9, v8, v46  }
0x223: {  	v51 =	vmul.f32 v48, v2;
	v6 =	vnsel vm10, $0x0, v50;
	v8 =	vadd.f32 v8, v1  }
0x224: {  	v6 =	vshll.u32 v6, $0x1  }
0x225: {  	v52 =	vmul.f32 v49, v5;
	v6 =	vor.u32 $0x1, v6;
	v8 =	vadd.f32 v8, v51;
	_ =	sdelay $0x1  }
0x226: {  	v8 =	vadd.f32 v8, v52  }
0x227: {  	v53 =	vld [tilespmem:$0x790]  }
0x228: {  	v54 =	vld [tilespmem:$0xA0];
	[tilespmem:$0x780] =	vst v8  }
0x229: {  	v6 =	vld.idx.msk [tilespmem:v6+s28+$0x0], $0xffff  }
0x22a: {  	v55 =	vld [tilespmem:$0xA90];
	_ =	sdelay $0x1  }
0x22b: {  	v56 =	vld [tilespmem:$0xC90]  }
0x22c: {  	v57 =	vadd.s32 $0xFFF0BE00, v54;
	vm11 =	vgt.s32 v47, $0xF41FF  }
0x22d: {  	vm12 =	vgt.s32 v57, $0x0;
	v6 =	vsel vm11, v6, v53  }
0x22e: {  	v58 =	vmul.f32 v55, v2;
	v7 =	vnsel vm12, $0x0, v57;
	v6 =	vadd.f32 v6, v1  }
0x22f: {  	v7 =	vshll.u32 v7, $0x1  }
0x230: {  	v59 =	vmul.f32 v56, v5;
	v7 =	vor.u32 $0x1, v7;
	v6 =	vadd.f32 v6, v58;
	_ =	sdelay $0x1  }
0x231: {  	v6 =	vadd.f32 v6, v59  }
0x232: {  	v60 =	vld [tilespmem:$0x7A0]  }
0x233: {  	v61 =	vld [tilespmem:$0xB0];
	[tilespmem:$0x790] =	vst v6  }
0x234: {  	v7 =	vld.idx.msk [tilespmem:v7+s28+$0x0], $0xffff  }
0x235: {  	v62 =	vld [tilespmem:$0xAA0];
	_ =	sdelay $0x1  }
0x236: {  	v63 =	vld [tilespmem:$0xCA0]  }
0x237: {  	v12 =	vadd.s32 $0xFFF0BE00, v61;
	vm13 =	vgt.s32 v54, $0xF41FF  }
0x238: {  	vm14 =	vgt.s32 v12, $0x0;
	v7 =	vsel vm13, v7, v60  }
0x239: {  	v13 =	vmul.f32 v62, v2;
	v8 =	vnsel vm14, $0x0, v12;
	v7 =	vadd.f32 v7, v1  }
0x23a: {  	v8 =	vshll.u32 v8, $0x1  }
0x23b: {  	v14 =	vmul.f32 v63, v5;
	v8 =	vor.u32 $0x1, v8;
	v7 =	vadd.f32 v7, v13;
	_ =	sdelay $0x1  }
0x23c: {  	v7 =	vadd.f32 v7, v14  }
0x23d: {  	v15 =	vld [tilespmem:$0x7B0]  }
0x23e: {  	v16 =	vld [tilespmem:$0xC0];
	[tilespmem:$0x7A0] =	vst v7  }
0x23f: {  	v8 =	vld.idx.msk [tilespmem:v8+s28+$0x0], $0xffff  }
0x240: {  	v17 =	vld [tilespmem:$0xAB0];
	_ =	sdelay $0x1  }
0x241: {  	v18 =	vld [tilespmem:$0xCB0]  }
0x242: {  	v19 =	vadd.s32 $0xFFF0BE00, v16;
	vm15 =	vgt.s32 v61, $0xF41FF  }
0x243: {  	vm4 =	vgt.s32 v19, $0x0;
	v8 =	vsel vm15, v8, v15  }
0x244: {  	v20 =	vmul.f32 v17, v2;
	v6 =	vnsel vm4, $0x0, v19;
	v8 =	vadd.f32 v8, v1  }
0x245: {  	v6 =	vshll.u32 v6, $0x1  }
0x246: {  	v21 =	vmul.f32 v18, v5;
	v6 =	vor.u32 $0x1, v6;
	v8 =	vadd.f32 v8, v20;
	_ =	sdelay $0x1  }
0x247: {  	v8 =	vadd.f32 v8, v21  }
0x248: {  	v22 =	vld [tilespmem:$0x7C0]  }
0x249: {  	v23 =	vld [tilespmem:$0xD0];
	[tilespmem:$0x7B0] =	vst v8  }
0x24a: {  	v6 =	vld.idx.msk [tilespmem:v6+s28+$0x0], $0xffff  }
0x24b: {  	v24 =	vld [tilespmem:$0xAC0];
	_ =	sdelay $0x1  }
0x24c: {  	v25 =	vld [tilespmem:$0xCC0]  }
0x24d: {  	v26 =	vadd.s32 $0xFFF0BE00, v23;
	vm5 =	vgt.s32 v16, $0xF41FF  }
0x24e: {  	vm6 =	vgt.s32 v26, $0x0;
	v6 =	vsel vm5, v6, v22  }
0x24f: {  	v27 =	vmul.f32 v24, v2;
	v7 =	vnsel vm6, $0x0, v26;
	v6 =	vadd.f32 v6, v1  }
0x250: {  	v7 =	vshll.u32 v7, $0x1  }
0x251: {  	v28 =	vmul.f32 v25, v5;
	v7 =	vor.u32 $0x1, v7;
	v6 =	vadd.f32 v6, v27;
	_ =	sdelay $0x1  }
0x252: {  	v6 =	vadd.f32 v6, v28  }
0x253: {  	v29 =	vld [tilespmem:$0x7D0]  }
0x254: {  	v30 =	vld [tilespmem:$0xE0];
	[tilespmem:$0x7C0] =	vst v6  }
0x255: {  	v7 =	vld.idx.msk [tilespmem:v7+s28+$0x0], $0xffff  }
0x256: {  	v31 =	vld [tilespmem:$0xAD0];
	_ =	sdelay $0x1  }
0x257: {  	v32 =	vld [tilespmem:$0xCD0]  }
0x258: {  	v33 =	vadd.s32 $0xFFF0BE00, v30;
	vm7 =	vgt.s32 v23, $0xF41FF  }
0x259: {  	vm8 =	vgt.s32 v33, $0x0;
	v7 =	vsel vm7, v7, v29  }
0x25a: {  	v34 =	vmul.f32 v31, v2;
	v8 =	vnsel vm8, $0x0, v33;
	v7 =	vadd.f32 v7, v1  }
0x25b: {  	v8 =	vshll.u32 v8, $0x1  }
0x25c: {  	v35 =	vmul.f32 v32, v5;
	v8 =	vor.u32 $0x1, v8;
	v7 =	vadd.f32 v7, v34;
	_ =	sdelay $0x1  }
0x25d: {  	v7 =	vadd.f32 v7, v35  }
0x25e: {  	v36 =	vld [tilespmem:$0x7E0]  }
0x25f: {  	v37 =	vld [tilespmem:$0xF0];
	[tilespmem:$0x7D0] =	vst v7  }
0x260: {  	v8 =	vld.idx.msk [tilespmem:v8+s28+$0x0], $0xffff  }
0x261: {  	v38 =	vld [tilespmem:$0xAE0];
	_ =	sdelay $0x1  }
0x262: {  	v39 =	vld [tilespmem:$0xCE0]  }
0x263: {  	v40 =	vadd.s32 $0xFFF0BE00, v37;
	vm9 =	vgt.s32 v30, $0xF41FF  }
0x264: {  	vm10 =	vgt.s32 v40, $0x0;
	v8 =	vsel vm9, v8, v36  }
0x265: {  	v41 =	vmul.f32 v38, v2;
	v6 =	vnsel vm10, $0x0, v40;
	v8 =	vadd.f32 v8, v1  }
0x266: {  	v6 =	vshll.u32 v6, $0x1  }
0x267: {  	v42 =	vmul.f32 v39, v5;
	v6 =	vor.u32 $0x1, v6;
	v8 =	vadd.f32 v8, v41;
	_ =	sdelay $0x1  }
0x268: {  	v8 =	vadd.f32 v8, v42  }
0x269: {  	v43 =	vld [tilespmem:$0x7F0]  }
0x26a: {  	v44 =	vld [tilespmem:$0x100];
	[tilespmem:$0x7E0] =	vst v8  }
0x26b: {  	v6 =	vld.idx.msk [tilespmem:v6+s28+$0x0], $0xffff  }
0x26c: {  	v45 =	vld [tilespmem:$0xAF0];
	_ =	sdelay $0x1  }
0x26d: {  	v46 =	vld [tilespmem:$0xCF0]  }
0x26e: {  	vm11 =	vgt.s32 v37, $0xF41FF  }
0x26f: {  	v47 =	vadd.s32 $0xFFF0BE00, v44;
	v6 =	vsel vm11, v6, v43  }
0x270: {  	vm12 =	vgt.s32 v47, $0x0;
	v48 =	vmul.f32 v45, v2;
	v6 =	vadd.f32 v6, v1  }
0x271: {  	v7 =	vnsel vm12, $0x0, v47  }
0x272: {  	v49 =	vmul.f32 v46, v5;
	v7 =	vshll.u32 v7, $0x1;
	v6 =	vadd.f32 v6, v48;
	_ =	sdelay $0x1  }
0x273: {  	v6 =	vadd.f32 v6, v49  }
0x274: {  	v50 =	vld [tilespmem:$0x800]  }
0x275: {  	v51 =	vld [tilespmem:$0x110];
	[tilespmem:$0x7F0] =	vst v6  }
0x276: {  	v7 =	vld.idx.msk [tilespmem:v7+s28+$0x0], $0xffff  }
0x277: {  	v52 =	vld [tilespmem:$0xB00];
	_ =	sdelay $0x1  }
0x278: {  	v53 =	vld [tilespmem:$0xD00]  }
0x279: {  	vm13 =	vgt.s32 v44, $0xF41FF  }
0x27a: {  	v54 =	vadd.s32 $0xFFF0BE00, v51;
	v6 =	vsel vm13, v7, v50  }
0x27b: {  	vm14 =	vgt.s32 v54, $0x0;
	v55 =	vmul.f32 v52, v4;
	v6 =	vadd.f32 v6, v3  }
0x27c: {  	v7 =	vnsel vm14, $0x0, v54  }
0x27d: {  	v56 =	vmul.f32 v53, v0;
	v7 =	vshll.u32 v7, $0x1;
	v6 =	vadd.f32 v6, v55;
	_ =	sdelay $0x1  }
0x27e: {  	v6 =	vadd.f32 v6, v56  }
0x27f: {  	v57 =	vld [tilespmem:$0x810]  }
0x280: {  	v58 =	vld [tilespmem:$0x120];
	[tilespmem:$0x800] =	vst v6  }
0x281: {  	v7 =	vld.idx.msk [tilespmem:v7+s28+$0x0], $0xffff  }
0x282: {  	v59 =	vld [tilespmem:$0xB10];
	_ =	sdelay $0x1  }
0x283: {  	v60 =	vld [tilespmem:$0xD10]  }
0x284: {  	vm15 =	vgt.s32 v51, $0xF41FF  }
0x285: {  	v61 =	vadd.s32 $0xFFF0BE00, v58;
	v6 =	vsel vm15, v7, v57  }
0x286: {  	vm4 =	vgt.s32 v61, $0x0;
	v62 =	vmul.f32 v59, v4;
	v6 =	vadd.f32 v6, v3  }
0x287: {  	v7 =	vnsel vm4, $0x0, v61  }
0x288: {  	v63 =	vmul.f32 v60, v0;
	v7 =	vshll.u32 v7, $0x1;
	v6 =	vadd.f32 v6, v62;
	_ =	sdelay $0x1  }
0x289: {  	v6 =	vadd.f32 v6, v63  }
0x28a: {  	v12 =	vld [tilespmem:$0x820]  }
0x28b: {  	v13 =	vld [tilespmem:$0x130];
	[tilespmem:$0x810] =	vst v6  }
0x28c: {  	v7 =	vld.idx.msk [tilespmem:v7+s28+$0x0], $0xffff  }
0x28d: {  	v14 =	vld [tilespmem:$0xB20];
	_ =	sdelay $0x1  }
0x28e: {  	v15 =	vld [tilespmem:$0xD20]  }
0x28f: {  	vm5 =	vgt.s32 v58, $0xF41FF  }
0x290: {  	v16 =	vadd.s32 $0xFFF0BE00, v13;
	v6 =	vsel vm5, v7, v12  }
0x291: {  	vm6 =	vgt.s32 v16, $0x0;
	v17 =	vmul.f32 v14, v4;
	v6 =	vadd.f32 v6, v3  }
0x292: {  	v7 =	vnsel vm6, $0x0, v16  }
0x293: {  	v18 =	vmul.f32 v15, v0;
	v7 =	vshll.u32 v7, $0x1;
	v6 =	vadd.f32 v6, v17;
	_ =	sdelay $0x1  }
0x294: {  	v6 =	vadd.f32 v6, v18  }
0x295: {  	v19 =	vld [tilespmem:$0x830]  }
0x296: {  	v20 =	vld [tilespmem:$0x140];
	[tilespmem:$0x820] =	vst v6  }
0x297: {  	v7 =	vld.idx.msk [tilespmem:v7+s28+$0x0], $0xffff  }
0x298: {  	v21 =	vld [tilespmem:$0xB30];
	_ =	sdelay $0x1  }
0x299: {  	v22 =	vld [tilespmem:$0xD30]  }
0x29a: {  	vm7 =	vgt.s32 v13, $0xF41FF  }
0x29b: {  	v23 =	vadd.s32 $0xFFF0BE00, v20;
	v6 =	vsel vm7, v7, v19  }
0x29c: {  	vm8 =	vgt.s32 v23, $0x0;
	v24 =	vmul.f32 v21, v4;
	v6 =	vadd.f32 v6, v3  }
0x29d: {  	v7 =	vnsel vm8, $0x0, v23  }
0x29e: {  	v25 =	vmul.f32 v22, v0;
	v7 =	vshll.u32 v7, $0x1;
	v6 =	vadd.f32 v6, v24;
	_ =	sdelay $0x1  }
0x29f: {  	v6 =	vadd.f32 v6, v25  }
0x2a0: {  	v26 =	vld [tilespmem:$0x840]  }
0x2a1: {  	v27 =	vld [tilespmem:$0x150];
	[tilespmem:$0x830] =	vst v6  }
0x2a2: {  	v7 =	vld.idx.msk [tilespmem:v7+s28+$0x0], $0xffff  }
0x2a3: {  	v28 =	vld [tilespmem:$0xB40];
	_ =	sdelay $0x1  }
0x2a4: {  	v29 =	vld [tilespmem:$0xD40]  }
0x2a5: {  	vm9 =	vgt.s32 v20, $0xF41FF  }
0x2a6: {  	v30 =	vadd.s32 $0xFFF0BE00, v27;
	v6 =	vsel vm9, v7, v26  }
0x2a7: {  	vm10 =	vgt.s32 v30, $0x0;
	v31 =	vmul.f32 v28, v4;
	v6 =	vadd.f32 v6, v3  }
0x2a8: {  	v7 =	vnsel vm10, $0x0, v30  }
0x2a9: {  	v32 =	vmul.f32 v29, v0;
	v7 =	vshll.u32 v7, $0x1;
	v6 =	vadd.f32 v6, v31;
	_ =	sdelay $0x1  }
0x2aa: {  	v6 =	vadd.f32 v6, v32  }
0x2ab: {  	v33 =	vld [tilespmem:$0x850]  }
0x2ac: {  	v34 =	vld [tilespmem:$0x160];
	[tilespmem:$0x840] =	vst v6  }
0x2ad: {  	v7 =	vld.idx.msk [tilespmem:v7+s28+$0x0], $0xffff  }
0x2ae: {  	v35 =	vld [tilespmem:$0xB50];
	_ =	sdelay $0x1  }
0x2af: {  	v36 =	vld [tilespmem:$0xD50]  }
0x2b0: {  	vm11 =	vgt.s32 v27, $0xF41FF  }
0x2b1: {  	v37 =	vadd.s32 $0xFFF0BE00, v34;
	v6 =	vsel vm11, v7, v33  }
0x2b2: {  	vm12 =	vgt.s32 v37, $0x0;
	v38 =	vmul.f32 v35, v4;
	v6 =	vadd.f32 v6, v3  }
0x2b3: {  	v7 =	vnsel vm12, $0x0, v37  }
0x2b4: {  	v39 =	vmul.f32 v36, v0;
	v7 =	vshll.u32 v7, $0x1;
	v6 =	vadd.f32 v6, v38;
	_ =	sdelay $0x1  }
0x2b5: {  	v6 =	vadd.f32 v6, v39  }
0x2b6: {  	v40 =	vld [tilespmem:$0x860]  }
0x2b7: {  	v41 =	vld [tilespmem:$0x170];
	[tilespmem:$0x850] =	vst v6  }
0x2b8: {  	v7 =	vld.idx.msk [tilespmem:v7+s28+$0x0], $0xffff  }
0x2b9: {  	v42 =	vld [tilespmem:$0xB60];
	_ =	sdelay $0x1  }
0x2ba: {  	v43 =	vld [tilespmem:$0xD60]  }
0x2bb: {  	vm13 =	vgt.s32 v34, $0xF41FF  }
0x2bc: {  	v44 =	vadd.s32 $0xFFF0BE00, v41;
	v6 =	vsel vm13, v7, v40  }
0x2bd: {  	v45 =	vmul.f32 v42, v4;
	vm14 =	vgt.s32 v44, $0x0;
	v6 =	vadd.f32 v6, v3  }
0x2be: {  	v7 =	vnsel vm14, $0x0, v44  }
0x2bf: {  	v46 =	vmul.f32 v43, v0;
	v7 =	vshll.u32 v7, $0x1;
	v6 =	vadd.f32 v6, v45;
	_ =	sdelay $0x1  }
0x2c0: {  	v6 =	vadd.f32 v6, v46  }
0x2c1: {  	v47 =	vld [tilespmem:$0x870]  }
0x2c2: {  	v48 =	vld [tilespmem:$0x100];
	[tilespmem:$0x860] =	vst v6  }
0x2c3: {  	v7 =	vld.idx.msk [tilespmem:v7+s28+$0x0], $0xffff  }
0x2c4: {  	v49 =	vld [tilespmem:$0xB70];
	_ =	sdelay $0x1  }
0x2c5: {  	v50 =	vld [tilespmem:$0xD70]  }
0x2c6: {  	v51 =	vadd.s32 $0xFFF0BE00, v48;
	vm15 =	vgt.s32 v41, $0xF41FF  }
0x2c7: {  	vm4 =	vgt.s32 v51, $0x0;
	v7 =	vsel vm15, v7, v47  }
0x2c8: {  	v52 =	vmul.f32 v49, v4;
	v8 =	vnsel vm4, $0x0, v51;
	v7 =	vadd.f32 v7, v3  }
0x2c9: {  	v8 =	vshll.u32 v8, $0x1  }
0x2ca: {  	v53 =	vmul.f32 v50, v0;
	v8 =	vor.u32 $0x1, v8;
	v7 =	vadd.f32 v7, v52;
	_ =	sdelay $0x1  }
0x2cb: {  	v7 =	vadd.f32 v7, v53  }
0x2cc: {  	v54 =	vld [tilespmem:$0x880]  }
0x2cd: {  	v55 =	vld [tilespmem:$0x110];
	[tilespmem:$0x870] =	vst v7  }
0x2ce: {  	v8 =	vld.idx.msk [tilespmem:v8+s28+$0x0], $0xffff  }
0x2cf: {  	v56 =	vld [tilespmem:$0xB00];
	_ =	sdelay $0x1  }
0x2d0: {  	v57 =	vld [tilespmem:$0xD00]  }
0x2d1: {  	v58 =	vadd.s32 $0xFFF0BE00, v55;
	vm5 =	vgt.s32 v48, $0xF41FF  }
0x2d2: {  	vm6 =	vgt.s32 v58, $0x0;
	v8 =	vsel vm5, v8, v54  }
0x2d3: {  	v59 =	vmul.f32 v56, v2;
	v6 =	vnsel vm6, $0x0, v58;
	v8 =	vadd.f32 v8, v1  }
0x2d4: {  	v6 =	vshll.u32 v6, $0x1  }
0x2d5: {  	v60 =	vmul.f32 v57, v5;
	v6 =	vor.u32 $0x1, v6;
	v8 =	vadd.f32 v8, v59;
	_ =	sdelay $0x1  }
0x2d6: {  	v8 =	vadd.f32 v8, v60  }
0x2d7: {  	v61 =	vld [tilespmem:$0x890]  }
0x2d8: {  	v62 =	vld [tilespmem:$0x120];
	[tilespmem:$0x880] =	vst v8  }
0x2d9: {  	v6 =	vld.idx.msk [tilespmem:v6+s28+$0x0], $0xffff  }
0x2da: {  	v63 =	vld [tilespmem:$0xB10];
	_ =	sdelay $0x1  }
0x2db: {  	v12 =	vld [tilespmem:$0xD10]  }
0x2dc: {  	v13 =	vadd.s32 $0xFFF0BE00, v62;
	vm7 =	vgt.s32 v55, $0xF41FF  }
0x2dd: {  	vm8 =	vgt.s32 v13, $0x0;
	v6 =	vsel vm7, v6, v61  }
0x2de: {  	v14 =	vmul.f32 v63, v2;
	v7 =	vnsel vm8, $0x0, v13;
	v6 =	vadd.f32 v6, v1  }
0x2df: {  	v7 =	vshll.u32 v7, $0x1  }
0x2e0: {  	v15 =	vmul.f32 v12, v5;
	v7 =	vor.u32 $0x1, v7;
	v6 =	vadd.f32 v6, v14;
	_ =	sdelay $0x1  }
0x2e1: {  	v6 =	vadd.f32 v6, v15  }
0x2e2: {  	v16 =	vld [tilespmem:$0x8A0]  }
0x2e3: {  	v17 =	vld [tilespmem:$0x130];
	[tilespmem:$0x890] =	vst v6  }
0x2e4: {  	v7 =	vld.idx.msk [tilespmem:v7+s28+$0x0], $0xffff  }
0x2e5: {  	v18 =	vld [tilespmem:$0xB20];
	_ =	sdelay $0x1  }
0x2e6: {  	v19 =	vld [tilespmem:$0xD20]  }
0x2e7: {  	v20 =	vadd.s32 $0xFFF0BE00, v17;
	vm9 =	vgt.s32 v62, $0xF41FF  }
0x2e8: {  	vm10 =	vgt.s32 v20, $0x0;
	v7 =	vsel vm9, v7, v16  }
0x2e9: {  	v21 =	vmul.f32 v18, v2;
	v8 =	vnsel vm10, $0x0, v20;
	v7 =	vadd.f32 v7, v1  }
0x2ea: {  	v8 =	vshll.u32 v8, $0x1  }
0x2eb: {  	v22 =	vmul.f32 v19, v5;
	v8 =	vor.u32 $0x1, v8;
	v7 =	vadd.f32 v7, v21;
	_ =	sdelay $0x1  }
0x2ec: {  	v7 =	vadd.f32 v7, v22  }
0x2ed: {  	v23 =	vld [tilespmem:$0x8B0]  }
0x2ee: {  	v24 =	vld [tilespmem:$0x140];
	[tilespmem:$0x8A0] =	vst v7  }
0x2ef: {  	v8 =	vld.idx.msk [tilespmem:v8+s28+$0x0], $0xffff  }
0x2f0: {  	v25 =	vld [tilespmem:$0xB30];
	_ =	sdelay $0x1  }
0x2f1: {  	v26 =	vld [tilespmem:$0xD30]  }
0x2f2: {  	v27 =	vadd.s32 $0xFFF0BE00, v24;
	vm11 =	vgt.s32 v17, $0xF41FF  }
0x2f3: {  	vm12 =	vgt.s32 v27, $0x0;
	v8 =	vsel vm11, v8, v23  }
0x2f4: {  	v28 =	vmul.f32 v25, v2;
	v6 =	vnsel vm12, $0x0, v27;
	v8 =	vadd.f32 v8, v1  }
0x2f5: {  	v6 =	vshll.u32 v6, $0x1  }
0x2f6: {  	v29 =	vmul.f32 v26, v5;
	v6 =	vor.u32 $0x1, v6;
	v8 =	vadd.f32 v8, v28;
	_ =	sdelay $0x1  }
0x2f7: {  	v8 =	vadd.f32 v8, v29  }
0x2f8: {  	v30 =	vld [tilespmem:$0x8C0]  }
0x2f9: {  	v31 =	vld [tilespmem:$0x150];
	[tilespmem:$0x8B0] =	vst v8  }
0x2fa: {  	v6 =	vld.idx.msk [tilespmem:v6+s28+$0x0], $0xffff  }
0x2fb: {  	v32 =	vld [tilespmem:$0xB40];
	_ =	sdelay $0x1  }
0x2fc: {  	v33 =	vld [tilespmem:$0xD40]  }
0x2fd: {  	v34 =	vadd.s32 $0xFFF0BE00, v31;
	vm13 =	vgt.s32 v24, $0xF41FF  }
0x2fe: {  	vm14 =	vgt.s32 v34, $0x0;
	v6 =	vsel vm13, v6, v30  }
0x2ff: {  	v35 =	vmul.f32 v32, v2;
	v7 =	vnsel vm14, $0x0, v34;
	v6 =	vadd.f32 v6, v1  }
0x300: {  	v7 =	vshll.u32 v7, $0x1  }
0x301: {  	v36 =	vmul.f32 v33, v5;
	v7 =	vor.u32 $0x1, v7;
	v6 =	vadd.f32 v6, v35;
	_ =	sdelay $0x1  }
0x302: {  	v6 =	vadd.f32 v6, v36  }
0x303: {  	v37 =	vld [tilespmem:$0x8D0]  }
0x304: {  	v38 =	vld [tilespmem:$0x160];
	[tilespmem:$0x8C0] =	vst v6  }
0x305: {  	v7 =	vld.idx.msk [tilespmem:v7+s28+$0x0], $0xffff  }
0x306: {  	v39 =	vld [tilespmem:$0xB50];
	_ =	sdelay $0x1  }
0x307: {  	v40 =	vld [tilespmem:$0xD50]  }
0x308: {  	v41 =	vadd.s32 $0xFFF0BE00, v38;
	vm15 =	vgt.s32 v31, $0xF41FF  }
0x309: {  	vm4 =	vgt.s32 v41, $0x0;
	v7 =	vsel vm15, v7, v37  }
0x30a: {  	v42 =	vmul.f32 v39, v2;
	v8 =	vnsel vm4, $0x0, v41;
	v7 =	vadd.f32 v7, v1  }
0x30b: {  	v8 =	vshll.u32 v8, $0x1  }
0x30c: {  	v43 =	vmul.f32 v40, v5;
	v8 =	vor.u32 $0x1, v8;
	v7 =	vadd.f32 v7, v42;
	_ =	sdelay $0x1  }
0x30d: {  	v7 =	vadd.f32 v7, v43  }
0x30e: {  	v44 =	vld [tilespmem:$0x8E0]  }
0x30f: {  	v45 =	vld [tilespmem:$0x170];
	[tilespmem:$0x8D0] =	vst v7  }
0x310: {  	v8 =	vld.idx.msk [tilespmem:v8+s28+$0x0], $0xffff  }
0x311: {  	v46 =	vld [tilespmem:$0xB60];
	_ =	sdelay $0x1  }
0x312: {  	v47 =	vld [tilespmem:$0xD60]  }
0x313: {  	v48 =	vadd.s32 $0xFFF0BE00, v45;
	vm5 =	vgt.s32 v38, $0xF41FF  }
0x314: {  	vm6 =	vgt.s32 v48, $0x0;
	v8 =	vsel vm5, v8, v44  }
0x315: {  	v49 =	vmul.f32 v46, v2;
	v6 =	vnsel vm6, $0x0, v48;
	v8 =	vadd.f32 v8, v1  }
0x316: {  	v6 =	vshll.u32 v6, $0x1  }
0x317: {  	v50 =	vmul.f32 v47, v5;
	v6 =	vor.u32 $0x1, v6;
	v8 =	vadd.f32 v8, v49;
	_ =	sdelay $0x1  }
0x318: {  	v8 =	vadd.f32 v8, v50  }
0x319: {  	v51 =	vld [tilespmem:$0x8F0]  }
0x31a: {  	v52 =	vld [tilespmem:$0x180];
	[tilespmem:$0x8E0] =	vst v8  }
0x31b: {  	v6 =	vld.idx.msk [tilespmem:v6+s28+$0x0], $0xffff  }
0x31c: {  	v53 =	vld [tilespmem:$0xB70];
	_ =	sdelay $0x1  }
0x31d: {  	v54 =	vld [tilespmem:$0xD70]  }
0x31e: {  	vm7 =	vgt.s32 v45, $0xF41FF  }
0x31f: {  	v55 =	vadd.s32 $0xFFF0BE00, v52;
	v6 =	vsel vm7, v6, v51  }
0x320: {  	vm8 =	vgt.s32 v55, $0x0;
	v56 =	vmul.f32 v53, v2;
	v6 =	vadd.f32 v6, v1  }
0x321: {  	v7 =	vnsel vm8, $0x0, v55  }
0x322: {  	v57 =	vmul.f32 v54, v5;
	v7 =	vshll.u32 v7, $0x1;
	v6 =	vadd.f32 v6, v56;
	_ =	sdelay $0x1  }
0x323: {  	v6 =	vadd.f32 v6, v57  }
0x324: {  	v58 =	vld [tilespmem:$0x900]  }
0x325: {  	v59 =	vld [tilespmem:$0x190];
	[tilespmem:$0x8F0] =	vst v6  }
0x326: {  	v7 =	vld.idx.msk [tilespmem:v7+s28+$0x0], $0xffff  }
0x327: {  	v60 =	vld [tilespmem:$0xB80];
	_ =	sdelay $0x1  }
0x328: {  	v61 =	vld [tilespmem:$0xD80]  }
0x329: {  	vm9 =	vgt.s32 v52, $0xF41FF  }
0x32a: {  	v62 =	vadd.s32 $0xFFF0BE00, v59;
	v6 =	vsel vm9, v7, v58  }
0x32b: {  	vm10 =	vgt.s32 v62, $0x0;
	v63 =	vmul.f32 v60, v4;
	v6 =	vadd.f32 v6, v3  }
0x32c: {  	v7 =	vnsel vm10, $0x0, v62  }
0x32d: {  	v12 =	vmul.f32 v61, v0;
	v7 =	vshll.u32 v7, $0x1;
	v6 =	vadd.f32 v6, v63;
	_ =	sdelay $0x1  }
0x32e: {  	v6 =	vadd.f32 v6, v12  }
0x32f: {  	v13 =	vld [tilespmem:$0x910]  }
0x330: {  	v14 =	vld [tilespmem:$0x1A0];
	[tilespmem:$0x900] =	vst v6  }
0x331: {  	v7 =	vld.idx.msk [tilespmem:v7+s28+$0x0], $0xffff  }
0x332: {  	v15 =	vld [tilespmem:$0xB90];
	_ =	sdelay $0x1  }
0x333: {  	v16 =	vld [tilespmem:$0xD90]  }
0x334: {  	vm11 =	vgt.s32 v59, $0xF41FF  }
0x335: {  	v17 =	vadd.s32 $0xFFF0BE00, v14;
	v6 =	vsel vm11, v7, v13  }
0x336: {  	vm12 =	vgt.s32 v17, $0x0;
	v18 =	vmul.f32 v15, v4;
	v6 =	vadd.f32 v6, v3  }
0x337: {  	v7 =	vnsel vm12, $0x0, v17  }
0x338: {  	v19 =	vmul.f32 v16, v0;
	v7 =	vshll.u32 v7, $0x1;
	v6 =	vadd.f32 v6, v18;
	_ =	sdelay $0x1  }
0x339: {  	v6 =	vadd.f32 v6, v19  }
0x33a: {  	v20 =	vld [tilespmem:$0x920]  }
0x33b: {  	v21 =	vld [tilespmem:$0x1B0];
	[tilespmem:$0x910] =	vst v6  }
0x33c: {  	v7 =	vld.idx.msk [tilespmem:v7+s28+$0x0], $0xffff  }
0x33d: {  	v22 =	vld [tilespmem:$0xBA0];
	_ =	sdelay $0x1  }
0x33e: {  	v23 =	vld [tilespmem:$0xDA0]  }
0x33f: {  	vm13 =	vgt.s32 v14, $0xF41FF  }
0x340: {  	v24 =	vadd.s32 $0xFFF0BE00, v21;
	v6 =	vsel vm13, v7, v20  }
0x341: {  	vm14 =	vgt.s32 v24, $0x0;
	v25 =	vmul.f32 v22, v4;
	v6 =	vadd.f32 v6, v3  }
0x342: {  	v7 =	vnsel vm14, $0x0, v24  }
0x343: {  	v26 =	vmul.f32 v23, v0;
	v7 =	vshll.u32 v7, $0x1;
	v6 =	vadd.f32 v6, v25;
	_ =	sdelay $0x1  }
0x344: {  	v6 =	vadd.f32 v6, v26  }
0x345: {  	v27 =	vld [tilespmem:$0x930]  }
0x346: {  	v28 =	vld [tilespmem:$0x1C0];
	[tilespmem:$0x920] =	vst v6  }
0x347: {  	v7 =	vld.idx.msk [tilespmem:v7+s28+$0x0], $0xffff  }
0x348: {  	v29 =	vld [tilespmem:$0xBB0];
	_ =	sdelay $0x1  }
0x349: {  	v30 =	vld [tilespmem:$0xDB0]  }
0x34a: {  	vm15 =	vgt.s32 v21, $0xF41FF  }
0x34b: {  	v31 =	vadd.s32 $0xFFF0BE00, v28;
	v6 =	vsel vm15, v7, v27  }
0x34c: {  	vm4 =	vgt.s32 v31, $0x0;
	v32 =	vmul.f32 v29, v4;
	v6 =	vadd.f32 v6, v3  }
0x34d: {  	v7 =	vnsel vm4, $0x0, v31  }
0x34e: {  	v33 =	vmul.f32 v30, v0;
	v7 =	vshll.u32 v7, $0x1;
	v6 =	vadd.f32 v6, v32;
	_ =	sdelay $0x1  }
0x34f: {  	v6 =	vadd.f32 v6, v33  }
0x350: {  	v34 =	vld [tilespmem:$0x940]  }
0x351: {  	v35 =	vld [tilespmem:$0x1D0];
	[tilespmem:$0x930] =	vst v6  }
0x352: {  	v7 =	vld.idx.msk [tilespmem:v7+s28+$0x0], $0xffff  }
0x353: {  	v36 =	vld [tilespmem:$0xBC0];
	_ =	sdelay $0x1  }
0x354: {  	v37 =	vld [tilespmem:$0xDC0]  }
0x355: {  	vm5 =	vgt.s32 v28, $0xF41FF  }
0x356: {  	v38 =	vadd.s32 $0xFFF0BE00, v35;
	v6 =	vsel vm5, v7, v34  }
0x357: {  	vm6 =	vgt.s32 v38, $0x0;
	v39 =	vmul.f32 v36, v4;
	v6 =	vadd.f32 v6, v3  }
0x358: {  	v7 =	vnsel vm6, $0x0, v38  }
0x359: {  	v40 =	vmul.f32 v37, v0;
	v7 =	vshll.u32 v7, $0x1;
	v6 =	vadd.f32 v6, v39;
	_ =	sdelay $0x1  }
0x35a: {  	v6 =	vadd.f32 v6, v40  }
0x35b: {  	v41 =	vld [tilespmem:$0x950]  }
0x35c: {  	v42 =	vld [tilespmem:$0x1E0];
	[tilespmem:$0x940] =	vst v6  }
0x35d: {  	v7 =	vld.idx.msk [tilespmem:v7+s28+$0x0], $0xffff  }
0x35e: {  	v43 =	vld [tilespmem:$0xBD0];
	_ =	sdelay $0x1  }
0x35f: {  	v44 =	vld [tilespmem:$0xDD0]  }
0x360: {  	vm7 =	vgt.s32 v35, $0xF41FF  }
0x361: {  	v45 =	vadd.s32 $0xFFF0BE00, v42;
	v6 =	vsel vm7, v7, v41  }
0x362: {  	vm8 =	vgt.s32 v45, $0x0;
	v46 =	vmul.f32 v43, v4;
	v6 =	vadd.f32 v6, v3  }
0x363: {  	v7 =	vnsel vm8, $0x0, v45  }
0x364: {  	v47 =	vmul.f32 v44, v0;
	v7 =	vshll.u32 v7, $0x1;
	v6 =	vadd.f32 v6, v46;
	_ =	sdelay $0x1  }
0x365: {  	v6 =	vadd.f32 v6, v47  }
0x366: {  	v48 =	vld [tilespmem:$0x960]  }
0x367: {  	v49 =	vld [tilespmem:$0x1F0];
	[tilespmem:$0x950] =	vst v6  }
0x368: {  	v7 =	vld.idx.msk [tilespmem:v7+s28+$0x0], $0xffff  }
0x369: {  	v50 =	vld [tilespmem:$0xBE0];
	_ =	sdelay $0x1  }
0x36a: {  	v51 =	vld [tilespmem:$0xDE0]  }
0x36b: {  	vm9 =	vgt.s32 v42, $0xF41FF  }
0x36c: {  	v52 =	vadd.s32 $0xFFF0BE00, v49;
	v6 =	vsel vm9, v7, v48  }
0x36d: {  	v53 =	vmul.f32 v50, v4;
	vm10 =	vgt.s32 v52, $0x0;
	v6 =	vadd.f32 v6, v3  }
0x36e: {  	v7 =	vnsel vm10, $0x0, v52  }
0x36f: {  	v54 =	vmul.f32 v51, v0;
	v7 =	vshll.u32 v7, $0x1;
	v6 =	vadd.f32 v6, v53;
	_ =	sdelay $0x1  }
0x370: {  	v6 =	vadd.f32 v6, v54  }
0x371: {  	v55 =	vld [tilespmem:$0x970]  }
0x372: {  	v56 =	vld [tilespmem:$0x180];
	[tilespmem:$0x960] =	vst v6  }
0x373: {  	v7 =	vld.idx.msk [tilespmem:v7+s28+$0x0], $0xffff  }
0x374: {  	v57 =	vld [tilespmem:$0xBF0];
	_ =	sdelay $0x1  }
0x375: {  	v58 =	vld [tilespmem:$0xDF0]  }
0x376: {  	v59 =	vadd.s32 $0xFFF0BE00, v56;
	vm11 =	vgt.s32 v49, $0xF41FF  }
0x377: {  	vm12 =	vgt.s32 v59, $0x0;
	v7 =	vsel vm11, v7, v55  }
0x378: {  	v4 =	vmul.f32 v57, v4;
	v60 =	vnsel vm12, $0x0, v59;
	v3 =	vadd.f32 v7, v3  }
0x379: {  	v7 =	vshll.u32 v60, $0x1  }
0x37a: {  	v0 =	vmul.f32 v58, v0;
	v61 =	vor.u32 $0x1, v7;
	v3 =	vadd.f32 v3, v4;
	_ =	sdelay $0x1  }
0x37b: {  	v0 =	vadd.f32 v3, v0  }
0x37c: {  	v62 =	vld [tilespmem:$0x980]  }
0x37d: {  	v63 =	vld [tilespmem:$0x190];
	[tilespmem:$0x970] =	vst v0  }
0x37e: {  	v4 =	vld.idx.msk [tilespmem:v61+s28+$0x0], $0xffff  }
0x37f: {  	v12 =	vld [tilespmem:$0xB80];
	_ =	sdelay $0x1  }
0x380: {  	v13 =	vld [tilespmem:$0xD80]  }
0x381: {  	v14 =	vadd.s32 $0xFFF0BE00, v63;
	vm13 =	vgt.s32 v56, $0xF41FF  }
0x382: {  	vm14 =	vgt.s32 v14, $0x0;
	v3 =	vsel vm13, v4, v62  }
0x383: {  	v15 =	vmul.f32 v12, v2;
	v6 =	vnsel vm14, $0x0, v14;
	v3 =	vadd.f32 v3, v1  }
0x384: {  	v6 =	vshll.u32 v6, $0x1  }
0x385: {  	v16 =	vmul.f32 v13, v5;
	v6 =	vor.u32 $0x1, v6;
	v3 =	vadd.f32 v3, v15;
	_ =	sdelay $0x1  }
0x386: {  	v3 =	vadd.f32 v3, v16  }
0x387: {  	v17 =	vld [tilespmem:$0x990]  }
0x388: {  	v18 =	vld [tilespmem:$0x1A0];
	[tilespmem:$0x980] =	vst v3  }
0x389: {  	v6 =	vld.idx.msk [tilespmem:v6+s28+$0x0], $0xffff  }
0x38a: {  	v19 =	vld [tilespmem:$0xB90];
	_ =	sdelay $0x1  }
0x38b: {  	v20 =	vld [tilespmem:$0xD90]  }
0x38c: {  	v21 =	vadd.s32 $0xFFF0BE00, v18;
	vm15 =	vgt.s32 v63, $0xF41FF  }
0x38d: {  	vm4 =	vgt.s32 v21, $0x0;
	v4 =	vsel vm15, v6, v17  }
0x38e: {  	v22 =	vmul.f32 v19, v2;
	v0 =	vnsel vm4, $0x0, v21;
	v4 =	vadd.f32 v4, v1  }
0x38f: {  	v0 =	vshll.u32 v0, $0x1  }
0x390: {  	v23 =	vmul.f32 v20, v5;
	v0 =	vor.u32 $0x1, v0;
	v4 =	vadd.f32 v4, v22;
	_ =	sdelay $0x1  }
0x391: {  	v4 =	vadd.f32 v4, v23  }
0x392: {  	v24 =	vld [tilespmem:$0x9A0]  }
0x393: {  	v25 =	vld [tilespmem:$0x1B0];
	[tilespmem:$0x990] =	vst v4  }
0x394: {  	v0 =	vld.idx.msk [tilespmem:v0+s28+$0x0], $0xffff  }
0x395: {  	v26 =	vld [tilespmem:$0xBA0];
	_ =	sdelay $0x1  }
0x396: {  	v27 =	vld [tilespmem:$0xDA0]  }
0x397: {  	v28 =	vadd.s32 $0xFFF0BE00, v25;
	vm5 =	vgt.s32 v18, $0xF41FF  }
0x398: {  	vm6 =	vgt.s32 v28, $0x0;
	v0 =	vsel vm5, v0, v24  }
0x399: {  	v29 =	vmul.f32 v26, v2;
	v3 =	vnsel vm6, $0x0, v28;
	v0 =	vadd.f32 v0, v1  }
0x39a: {  	v3 =	vshll.u32 v3, $0x1  }
0x39b: {  	v30 =	vmul.f32 v27, v5;
	v3 =	vor.u32 $0x1, v3;
	v0 =	vadd.f32 v0, v29;
	_ =	sdelay $0x1  }
0x39c: {  	v0 =	vadd.f32 v0, v30  }
0x39d: {  	v31 =	vld [tilespmem:$0x9B0]  }
0x39e: {  	v32 =	vld [tilespmem:$0x1C0];
	[tilespmem:$0x9A0] =	vst v0  }
0x39f: {  	v3 =	vld.idx.msk [tilespmem:v3+s28+$0x0], $0xffff  }
0x3a0: {  	v33 =	vld [tilespmem:$0xBB0];
	_ =	sdelay $0x1  }
0x3a1: {  	v34 =	vld [tilespmem:$0xDB0]  }
0x3a2: {  	v35 =	vadd.s32 $0xFFF0BE00, v32;
	vm7 =	vgt.s32 v25, $0xF41FF  }
0x3a3: {  	vm8 =	vgt.s32 v35, $0x0;
	v3 =	vsel vm7, v3, v31  }
0x3a4: {  	v36 =	vmul.f32 v33, v2;
	v4 =	vnsel vm8, $0x0, v35;
	v3 =	vadd.f32 v3, v1  }
0x3a5: {  	v4 =	vshll.u32 v4, $0x1  }
0x3a6: {  	v37 =	vmul.f32 v34, v5;
	v4 =	vor.u32 $0x1, v4;
	v3 =	vadd.f32 v3, v36;
	_ =	sdelay $0x1  }
0x3a7: {  	v3 =	vadd.f32 v3, v37  }
0x3a8: {  	v38 =	vld [tilespmem:$0x9C0]  }
0x3a9: {  	v39 =	vld [tilespmem:$0x1D0];
	[tilespmem:$0x9B0] =	vst v3  }
0x3aa: {  	v4 =	vld.idx.msk [tilespmem:v4+s28+$0x0], $0xffff  }
0x3ab: {  	v40 =	vld [tilespmem:$0xBC0];
	_ =	sdelay $0x1  }
0x3ac: {  	v41 =	vld [tilespmem:$0xDC0]  }
0x3ad: {  	v42 =	vadd.s32 $0xFFF0BE00, v39;
	vm9 =	vgt.s32 v32, $0xF41FF  }
0x3ae: {  	vm10 =	vgt.s32 v42, $0x0;
	v4 =	vsel vm9, v4, v38  }
0x3af: {  	v43 =	vmul.f32 v40, v2;
	v0 =	vnsel vm10, $0x0, v42;
	v4 =	vadd.f32 v4, v1  }
0x3b0: {  	v0 =	vshll.u32 v0, $0x1  }
0x3b1: {  	v44 =	vmul.f32 v41, v5;
	v0 =	vor.u32 $0x1, v0;
	v4 =	vadd.f32 v4, v43;
	_ =	sdelay $0x1  }
0x3b2: {  	v4 =	vadd.f32 v4, v44  }
0x3b3: {  	v45 =	vld [tilespmem:$0x9D0]  }
0x3b4: {  	v46 =	vld [tilespmem:$0x1E0];
	[tilespmem:$0x9C0] =	vst v4  }
0x3b5: {  	v0 =	vld.idx.msk [tilespmem:v0+s28+$0x0], $0xffff  }
0x3b6: {  	v47 =	vld [tilespmem:$0xBD0];
	_ =	sdelay $0x1  }
0x3b7: {  	v48 =	vld [tilespmem:$0xDD0]  }
0x3b8: {  	v49 =	vadd.s32 $0xFFF0BE00, v46;
	vm11 =	vgt.s32 v39, $0xF41FF  }
0x3b9: {  	vm12 =	vgt.s32 v49, $0x0;
	v0 =	vsel vm11, v0, v45  }
0x3ba: {  	v50 =	vmul.f32 v47, v2;
	v3 =	vnsel vm12, $0x0, v49;
	v0 =	vadd.f32 v0, v1  }
0x3bb: {  	v3 =	vshll.u32 v3, $0x1  }
0x3bc: {  	v51 =	vmul.f32 v48, v5;
	v3 =	vor.u32 $0x1, v3;
	v0 =	vadd.f32 v0, v50;
	_ =	sdelay $0x1  }
0x3bd: {  	v0 =	vadd.f32 v0, v51  }
0x3be: {  	v52 =	vld [tilespmem:$0x9E0]  }
0x3bf: {  	v53 =	vld [tilespmem:$0x1F0];
	[tilespmem:$0x9D0] =	vst v0  }
0x3c0: {  	v3 =	vld.idx.msk [tilespmem:v3+s28+$0x0], $0xffff  }
0x3c1: {  	v54 =	vld [tilespmem:$0xBE0];
	_ =	sdelay $0x1  }
0x3c2: {  	v55 =	vld [tilespmem:$0xDE0]  }
0x3c3: {  	v56 =	vadd.s32 $0xFFF0BE00, v53;
	vm13 =	vgt.s32 v46, $0xF41FF  }
0x3c4: {  	vm14 =	vgt.s32 v56, $0x0;
	v3 =	vsel vm13, v3, v52  }
0x3c5: {  	v57 =	vmul.f32 v54, v2;
	v4 =	vnsel vm14, $0x0, v56;
	v3 =	vadd.f32 v3, v1  }
0x3c6: {  	v4 =	vshll.u32 v4, $0x1  }
0x3c7: {  	v58 =	vmul.f32 v55, v5;
	v4 =	vor.u32 $0x1, v4;
	v3 =	vadd.f32 v3, v57;
	_ =	sdelay $0x1  }
0x3c8: {  	v3 =	vadd.f32 v3, v58;
	_ =	sdelay $0x1  }
0x3c9: {  	v59 =	vld [tilespmem:$0x9F0];
	[tilespmem:$0x9E0] =	vst v3  }
0x3ca: {  	v4 =	vld.idx.msk [tilespmem:v4+s28+$0x0], $0xffff  }
0x3cb: {  	v60 =	vld [tilespmem:$0xBF0];
	_ =	sdelay $0x1  }
0x3cc: {  	v61 =	vld [tilespmem:$0xDF0]  }
0x3cd: {  	vm15 =	vgt.s32 v53, $0xF41FF  }
0x3ce: {  	v0 =	vsel vm15, v4, v59  }
0x3cf: {  	v62 =	vmul.f32 v60, v2;
	v0 =	vadd.f32 v0, v1;
	_ =	sdelay $0x1  }
0x3d0: {  	v63 =	vmul.f32 v61, v5;
	v0 =	vadd.f32 v0, v62;
	_ =	sdelay $0x1  }
0x3d1: {  	v0 =	vadd.f32 v0, v63  }
0x3d2: {  	p0 =	sne.s32 s6, $0x1  }
.Ltmp0:
0x3d3: {  	[tilespmem:$0x9F0] =	vst v0;
	(pc) =	sbr.rel @p0 .LBB2_1-.Ltmp0, $4  }
0x3d4: {  	[hbm4b:s5+s2] =	stream.linear.scatter [tilespmem:s10], [sflag:$0x2], $0x400, $0x38;
	[tilespmem:$0xEB0] =	vst v63  }
0x3d5: {  	_ =	swait.ge [sflag:s7], $0x400  }
0x3d6: {  	[sflag:s7] =	ssyncset.done $0x0  }
0x3d7: {  	s6 =	sadd.s32 $0xFFFFFFFF, s6;
	[sflag:s7] =	ssyncadd.s32 $0xFFFFFC00  }
0x3d8: {  	_ =	sfence.sel $0x180000  }
0x3d9: {  	[bflag:$0x0] =	sbarrier.arrive $0xFFFF  }
0x3da: {  	_ =	strace $0x90000047  }
0x3db: {  	s0 =	stileid.u32;
	[bflag:$0x2] =	sbarrier.arrive $0xFFFF  }
0x3dc: {  	p0 =	sne.s32 s0, $0x0;
	s0 =	rddreg [dreg:$0x8]  }
0x3dd: {  	s0 =	sadd.s32 @!p0 $0x100000, s0  }
0x3de: {  	[sflag:s0] =	ssyncadd.tile.s32 @!p0 $0x1;
	_ =	shalt  }
.Lfunc_end2:
_tile_overlayer_lowered:
.L_overlay_start_2:
0x3df: {  	(tag) =	ssettag $0x2  }
0x3e0: {  	s0 =	rddreg [dreg:$0x0];
	s2 =	stileid.u32  }
0x3e1: {  	s1 =	rddreg [dreg:$0x1];
	p0 =	sne.s32 s2, $0x0  }
0x3e2: {  	s3 =	rddreg [dreg:$0x2];
	[bflag:$0x3] =	sbarrier.arrive $0xFFFF;
	s2 =	simm.s32 @!p0 $0x1C02  }
0x3e3: {  	[timem:s3], [sflag:s2] =	dma.local @!p0 [hbm:s0], s1  }
0x3e4: {  	s0 =	simm.s32 @!p0 $0x2  }
0x3e5: {  	_ =	swait.ge @!p0 [sflag:s0], s1  }
0x3e6: {  	s1 =	ssub.s32 @!p0 $0x0, s1;
	[sflag:s0] =	ssyncset.done @!p0 $0x0  }
0x3e7: {  	[sflag:s0] =	ssyncadd.s32 @!p0 s1  }
0x3e8: {  	[bflag:$0x3] =	sbarrier.arrive $0xFFFF  }
0x3e9: {  	_ =	shalt  }

</sc_bundles>
